<compile_context>
chip_gen: v7x
topology: tpu7x:2x2x1
jax: 0.10.2.dev20260603
libtpu: 0.0.44.dev20260713+nightly
codegen_flags: <defaults>
</compile_context>

<pallas_src>
import functools

import jax
import jax.numpy as jnp
from jax import lax
from jax.experimental import pallas as pl
from jax.experimental.pallas import tpu as pltpu
from jax.experimental.pallas import tpu_sc as plsc

NC, NS = 2, 16
NW = NC * NS
L = 16


def kernel(x, table):
    B, T = x.shape
    V, D = table.shape
    NVT = D // 8
    NBT = B // 128
    units = -(-NVT // NW)

    xT = x.T.astype(jnp.int32)
    tT = table.T

    mesh = plsc.VectorSubcoreMesh(
        core_axis_name="c", subcore_axis_name="s",
        num_cores=NC, num_subcores=NS)

    @functools.partial(
        pl.kernel,
        out_type=jax.ShapeDtypeStruct((T, NVT, NBT, 8, 128), jnp.float32),
        mesh=mesh,
        scratch_types=[
            pltpu.VMEM((T, B), jnp.int32),
            pltpu.VMEM((8, V), jnp.float32),
            [pltpu.VMEM((NBT, 8, 128), jnp.float32) for _ in range(2)],
            [pltpu.SemaphoreType.DMA for _ in range(2)],
        ],
        compiler_params=pltpu.CompilerParams(
            use_tc_tiling_on_sc=False, needs_layout_passes=False),
    )
    def gather_kernel(xT_hbm, tT_hbm, out_hbm, xv, r8, ov, sems):
        wid = lax.axis_index("s") * NC + lax.axis_index("c")
        pltpu.sync_copy(xT_hbm, xv)

        vs_idx = [jnp.full((L,), vs, jnp.int32) for vs in range(8)]

        @pl.loop(0, units)
        def _unit(u):
            vt = u * NW + wid

            @pl.when(vt < NVT)
            def _do_unit():
                pltpu.sync_copy(tT_hbm.at[pl.ds(vt * 8, 8)], r8)

                @pl.loop(0, T, step=2)
                def _t(t0):
                    for p in range(2):
                        t = t0 + p
                        buf, sem = ov[p], sems[p]
                        @pl.when(t >= 2)
                        def _drain():
                            pltpu.make_async_copy(
                                buf, out_hbm.at[t - 2, vt], sem).wait()

                        @plsc.parallel_loop(0, NBT * 8, unroll=3)
                        def _bc(bc):
                            bt = bc >> 3
                            bb = bc & 7
                            idx16 = xv[t, pl.ds(bc * L, L)]
                            vals = [plsc.load_gather(r8, [vs_idx[vs], idx16])
                                    for vs in range(8)]
                            for vs in range(8):
                                buf[bt, vs, pl.ds(bb * L, L)] = vals[vs]

                        pltpu.async_copy(buf, out_hbm.at[t, vt], sem)

                for p in range(2):
                    pltpu.make_async_copy(
                        ov[p], out_hbm.at[T - 2 + p, vt], sems[p]).wait()

    k5 = gather_kernel(xT, tT)
    return jnp.transpose(k5, (2, 4, 0, 1, 3)).reshape(B, T, D)

# --- scband reference (transcript-rebuilt; emitter-appended) ---
"""Pipeline reference for scband-bigram-language-model-82970178224771 (READ-ONLY COPY).

The authoritative reference and input builder live on the scoring server;
editing this copy changes nothing except your own understanding.
"""

import jax, jax.numpy as jnp
import numpy as np

VOCAB = 1000
BATCH = 1024
SEQ = 50

def setup_inputs(seed: int = 0) -> dict:
    key = jax.random.key(seed)
    k1, k2 = jax.random.split(key)
    x = jax.random.randint(k1, (BATCH, SEQ), 0, VOCAB, dtype=jnp.int64) if jax.config.jax_enable_x64 else jax.random.randint(k1, (BATCH, SEQ), 0, VOCAB)
    table = jax.random.normal(k2, (VOCAB, VOCAB), dtype=jnp.float32)
    return {"x": x, "table": table}

def reference(x, table):
    # BigramLanguageModel.forward: logits = token_embedding_table(x)
    logits = jnp.take(table, x, axis=0)  # [B, T, V]
    return logits

if __name__ == "__main__":
    import jax
    _d = setup_inputs()
    print(jax.jit(kernel)(*tuple(_d.values())))

</pallas_src>

<mosaic_0001>
#map = affine_map<(d0, d1) -> (0, 0)>
#map1 = affine_map<(d0, d1) -> (0, 0, 0, 0, 0)>
module attributes {stable_mosaic.version = 14 : i64} {
  func.func @gather_kernel(%arg0: i32, %arg1: i32, %arg2: memref<50x1024xi32, #tpu.memory_space<hbm>>, %arg3: memref<1000x1000xf32, #tpu.memory_space<hbm>>, %arg4: memref<50x125x8x8x128xf32, #tpu.memory_space<hbm>>, %arg5: memref<50x1024xi32, #tpu.memory_space<vmem>>, %arg6: memref<8x1000xf32, #tpu.memory_space<vmem>>, %arg7: memref<8x8x128xf32, #tpu.memory_space<vmem>>, %arg8: memref<8x8x128xf32, #tpu.memory_space<vmem>>, %arg9: memref<!tpu.dma_semaphore, #tpu.memory_space<semaphore_mem>>, %arg10: memref<!tpu.dma_semaphore, #tpu.memory_space<semaphore_mem>>) attributes {dimension_semantics = [#tpu.dimension_semantics<core_parallel>, #tpu.dimension_semantics<subcore_parallel>], iteration_bounds = array<i64: 2, 16>, scalar_prefetch = 0 : i64, scratch_operands = 6 : i64, tpu.core_type = #tpu.core_type<sc_vector_subcore>, window_params = [{transform_indices = #map}, {transform_indices = #map}, {transform_indices = #map1}]} {
    %mul3A = arith.constant 2 : i32
    %mul3A_0 = arith.muli %arg1, %mul3A : i32
    %add3A = arith.addi %mul3A_0, %arg0 : i32
    "tpu.region"() ({
      %run_scoped3A = tpu.sem_alloc : memref<!tpu.dma_semaphore, #tpu.memory_space<semaphore_mem>>
      tpu.enqueue_dma source(%arg2 : memref<50x1024xi32, #tpu.memory_space<hbm>>) target(%arg5 : memref<50x1024xi32, #tpu.memory_space<vmem>>) target_semaphore(%run_scoped3A : memref<!tpu.dma_semaphore, #tpu.memory_space<semaphore_mem>>)
      tpu.wait_dma2 semaphore(%run_scoped3A : memref<!tpu.dma_semaphore, #tpu.memory_space<semaphore_mem>>) src(%arg2 : memref<50x1024xi32, #tpu.memory_space<hbm>>) dst(%arg5 : memref<50x1024xi32, #tpu.memory_space<vmem>>)
      tpu.yield
    }) : () -> ()
    %broadcast_in_dim3A = arith.constant 0 : i32
    %broadcast_in_dim3A_1 = vector.broadcast %broadcast_in_dim3A : i32 to vector<16xi32>
    %broadcast_in_dim3A_2 = arith.constant 1 : i32
    %broadcast_in_dim3A_3 = vector.broadcast %broadcast_in_dim3A_2 : i32 to vector<16xi32>
    %broadcast_in_dim3A_4 = arith.constant 2 : i32
    %broadcast_in_dim3A_5 = vector.broadcast %broadcast_in_dim3A_4 : i32 to vector<16xi32>
    %broadcast_in_dim3A_6 = arith.constant 3 : i32
    %broadcast_in_dim3A_7 = vector.broadcast %broadcast_in_dim3A_6 : i32 to vector<16xi32>
    %broadcast_in_dim3A_8 = arith.constant 4 : i32
    %broadcast_in_dim3A_9 = vector.broadcast %broadcast_in_dim3A_8 : i32 to vector<16xi32>
    %broadcast_in_dim3A_10 = arith.constant 5 : i32
    %broadcast_in_dim3A_11 = vector.broadcast %broadcast_in_dim3A_10 : i32 to vector<16xi32>
    %broadcast_in_dim3A_12 = arith.constant 6 : i32
    %broadcast_in_dim3A_13 = vector.broadcast %broadcast_in_dim3A_12 : i32 to vector<16xi32>
    %broadcast_in_dim3A_14 = arith.constant 7 : i32
    %broadcast_in_dim3A_15 = vector.broadcast %broadcast_in_dim3A_14 : i32 to vector<16xi32>
    %scan3A = arith.constant 0 : i32
    %scan3A_16 = arith.constant 4 : i32
    %scan3A_17 = arith.addi %scan3A, %scan3A_16 : i32
    %scan3A_18 = arith.constant 1 : i32
    scf.for %scan3A_20 = %scan3A to %scan3A_17 step %scan3A_18  : i32 {
      %mul3A_21 = arith.constant 1 : i32
      %mul3A_22 = arith.muli %scan3A_20, %mul3A_21 : i32
      %add3A_23 = arith.constant 0 : i32
      %add3A_24 = arith.addi %add3A_23, %mul3A_22 : i32
      %mul3A_25 = arith.constant 32 : i32
      %mul3A_26 = arith.muli %add3A_24, %mul3A_25 : i32
      %add3A_27 = arith.addi %mul3A_26, %add3A : i32
      %lt3A = arith.constant 125 : i32
      %lt3A_28 = arith.cmpi slt, %add3A_27, %lt3A : i32
      %convert_element_type3A = arith.extui %lt3A_28 : i1 to i32
      %cond3A = arith.constant 0 : i32
      %cond3A_29 = arith.cmpi ne, %convert_element_type3A, %cond3A : i32
      scf.if %cond3A_29 {
        %mul3A_30 = arith.constant 8 : i32
        %mul3A_31 = arith.muli %add3A_27, %mul3A_30 : i32
        "tpu.region"() ({
          %run_scoped3A = tpu.sem_alloc : memref<!tpu.dma_semaphore, #tpu.memory_space<semaphore_mem>>
          %dma_start3A = arith.constant 0 : i32
          %dma_start3A_58 = tpu.memref_slice %arg3[%mul3A_31, %dma_start3A] : memref<1000x1000xf32, #tpu.memory_space<hbm>> -> memref<8x1000xf32, #tpu.memory_space<hbm>>
          %dma_start3A_59 = arith.constant 0 : i32
          %dma_start3A_60 = tpu.memref_slice %arg3[%mul3A_31, %dma_start3A_59] : memref<1000x1000xf32, #tpu.memory_space<hbm>> -> memref<8x1000xf32, #tpu.memory_space<hbm>>
          tpu.enqueue_dma source(%dma_start3A_60 : memref<8x1000xf32, #tpu.memory_space<hbm>>) target(%arg6 : memref<8x1000xf32, #tpu.memory_space<vmem>>) target_semaphore(%run_scoped3A : memref<!tpu.dma_semaphore, #tpu.memory_space<semaphore_mem>>)
          %dma_wait3A_61 = arith.constant 0 : i32
          %dma_wait3A_62 = tpu.memref_slice %arg3[%mul3A_31, %dma_wait3A_61] : memref<1000x1000xf32, #tpu.memory_space<hbm>> -> memref<8x1000xf32, #tpu.memory_space<hbm>>
          %dma_wait3A_63 = arith.constant 0 : i32
          %dma_wait3A_64 = tpu.memref_slice %arg3[%mul3A_31, %dma_wait3A_63] : memref<1000x1000xf32, #tpu.memory_space<hbm>> -> memref<8x1000xf32, #tpu.memory_space<hbm>>
          tpu.wait_dma2 semaphore(%run_scoped3A : memref<!tpu.dma_semaphore, #tpu.memory_space<semaphore_mem>>) src(%dma_wait3A_64 : memref<8x1000xf32, #tpu.memory_space<hbm>>) dst(%arg6 : memref<8x1000xf32, #tpu.memory_space<vmem>>)
          tpu.yield
        }) : () -> ()
        %scan3A_32 = arith.constant 0 : i32
        %scan3A_33 = arith.constant 25 : i32
        %scan3A_34 = arith.addi %scan3A_32, %scan3A_33 : i32
        %scan3A_35 = arith.constant 1 : i32
        scf.for %scan3A_58 = %scan3A_32 to %scan3A_34 step %scan3A_35  : i32 {
          %mul3A_59 = arith.constant 2 : i32
          %mul3A_60 = arith.muli %scan3A_58, %mul3A_59 : i32
          %add3A_61 = arith.constant 0 : i32
          %add3A_62 = arith.addi %add3A_61, %mul3A_60 : i32
          %add3A_63 = arith.constant 0 : i32
          %add3A_64 = arith.addi %add3A_62, %add3A_63 : i32
          %ge3A = arith.constant 2 : i32
          %ge3A_65 = arith.cmpi sge, %add3A_64, %ge3A : i32
          %convert_element_type3A_66 = arith.extui %ge3A_65 : i1 to i32
          %cond3A_67 = arith.constant 0 : i32
          %cond3A_68 = arith.cmpi ne, %convert_element_type3A_66, %cond3A_67 : i32
          scf.if %cond3A_68 {
            %sub3A = arith.constant 2 : i32
            %sub3A_100 = arith.subi %add3A_64, %sub3A : i32
            %dma_wait3A_101 = arith.constant 0 : i32
            %dma_wait3A_102 = arith.constant 0 : i32
            %dma_wait3A_103 = arith.constant 0 : i32
            %dma_wait3A_104 = tpu.memref_slice %arg4[%sub3A_100, %add3A_27, %dma_wait3A_101, %dma_wait3A_102, %dma_wait3A_103] : memref<50x125x8x8x128xf32, #tpu.memory_space<hbm>> -> memref<1x1x8x8x128xf32, #tpu.memory_space<hbm>>
            %dma_wait3A_105 = tpu.memref_squeeze %dma_wait3A_104 : memref<1x1x8x8x128xf32, #tpu.memory_space<hbm>> -> memref<8x8x128xf32, #tpu.memory_space<hbm>>
            %dma_wait3A_106 = arith.constant 0 : i32
            %dma_wait3A_107 = arith.constant 0 : i32
            %dma_wait3A_108 = arith.constant 0 : i32
            %dma_wait3A_109 = tpu.memref_slice %arg4[%sub3A_100, %add3A_27, %dma_wait3A_106, %dma_wait3A_107, %dma_wait3A_108] : memref<50x125x8x8x128xf32, #tpu.memory_space<hbm>> -> memref<1x1x8x8x128xf32, #tpu.memory_space<hbm>>
            %dma_wait3A_110 = tpu.memref_squeeze %dma_wait3A_109 : memref<1x1x8x8x128xf32, #tpu.memory_space<hbm>> -> memref<8x8x128xf32, #tpu.memory_space<hbm>>
            tpu.wait_dma2 semaphore(%arg9 : memref<!tpu.dma_semaphore, #tpu.memory_space<semaphore_mem>>) src(%arg7 : memref<8x8x128xf32, #tpu.memory_space<vmem>>) dst(%dma_wait3A_110 : memref<8x8x128xf32, #tpu.memory_space<hbm>>)
          } else {
          }
          %parallel_loop3A = arith.constant 0 : i32
          %parallel_loop3A_69 = arith.constant 64 : i32
          %parallel_loop3A_70 = arith.constant 1 : i32
          scf.for %parallel_loop3A_100 = %parallel_loop3A to %parallel_loop3A_69 step %parallel_loop3A_70  : i32 {
            %parallel_loop3A_101 = arith.constant 3 : i32
            %parallel_loop3A_102 = arith.shrsi %parallel_loop3A_100, %parallel_loop3A_101 : i32
            %parallel_loop3A_103 = arith.constant 7 : i32
            %parallel_loop3A_104 = arith.andi %parallel_loop3A_100, %parallel_loop3A_103 : i32
            %parallel_loop3A_105 = arith.constant 16 : i32
            %parallel_loop3A_106 = arith.muli %parallel_loop3A_100, %parallel_loop3A_105 : i32
            %parallel_loop3A_107 = arith.index_cast %add3A_64 : i32 to index
            %parallel_loop3A_108 = arith.index_cast %parallel_loop3A_106 : i32 to index
            %parallel_loop3A_109 = tpu.vector_load %arg5[%parallel_loop3A_107, %parallel_loop3A_108] {strides = array<i32>} : memref<50x1024xi32, #tpu.memory_space<vmem>>, vector<16xi32>,
            %parallel_loop3A_110 = tpu.vector_load_idx %arg6[%broadcast_in_dim3A_1, %parallel_loop3A_109] : memref<8x1000xf32, #tpu.memory_space<vmem>>[vector<16xi32>, vector<16xi32>], vector<16xf32>,
            %parallel_loop3A_111 = tpu.vector_load_idx %arg6[%broadcast_in_dim3A_3, %parallel_loop3A_109] : memref<8x1000xf32, #tpu.memory_space<vmem>>[vector<16xi32>, vector<16xi32>], vector<16xf32>,
            %parallel_loop3A_112 = tpu.vector_load_idx %arg6[%broadcast_in_dim3A_5, %parallel_loop3A_109] : memref<8x1000xf32, #tpu.memory_space<vmem>>[vector<16xi32>, vector<16xi32>], vector<16xf32>,
            %parallel_loop3A_113 = tpu.vector_load_idx %arg6[%broadcast_in_dim3A_7, %parallel_loop3A_109] : memref<8x1000xf32, #tpu.memory_space<vmem>>[vector<16xi32>, vector<16xi32>], vector<16xf32>,
            %parallel_loop3A_114 = tpu.vector_load_idx %arg6[%broadcast_in_dim3A_9, %parallel_loop3A_109] : memref<8x1000xf32, #tpu.memory_space<vmem>>[vector<16xi32>, vector<16xi32>], vector<16xf32>,
            %parallel_loop3A_115 = tpu.vector_load_idx %arg6[%broadcast_in_dim3A_11, %parallel_loop3A_109] : memref<8x1000xf32, #tpu.memory_space<vmem>>[vector<16xi32>, vector<16xi32>], vector<16xf32>,
            %parallel_loop3A_116 = tpu.vector_load_idx %arg6[%broadcast_in_dim3A_13, %parallel_loop3A_109] : memref<8x1000xf32, #tpu.memory_space<vmem>>[vector<16xi32>, vector<16xi32>], vector<16xf32>,
            %parallel_loop3A_117 = tpu.vector_load_idx %arg6[%broadcast_in_dim3A_15, %parallel_loop3A_109] : memref<8x1000xf32, #tpu.memory_space<vmem>>[vector<16xi32>, vector<16xi32>], vector<16xf32>,
            %parallel_loop3A_118 = arith.constant 16 : i32
            %parallel_loop3A_119 = arith.muli %parallel_loop3A_104, %parallel_loop3A_118 : i32
            %parallel_loop3A_120 = arith.constant 0 : i32
            %parallel_loop3A_121 = arith.index_cast %parallel_loop3A_102 : i32 to index
            %parallel_loop3A_122 = arith.index_cast %parallel_loop3A_120 : i32 to index
            %parallel_loop3A_123 = arith.index_cast %parallel_loop3A_119 : i32 to index
            %parallel_loop3A_124 = tpu.vector_load %arg7[%parallel_loop3A_121, %parallel_loop3A_122, %parallel_loop3A_123] {strides = array<i32>} : memref<8x8x128xf32, #tpu.memory_space<vmem>>, vector<16xf32>,
            tpu.vector_store %arg7[%parallel_loop3A_121, %parallel_loop3A_122, %parallel_loop3A_123], %parallel_loop3A_110 {strides = array<i32>} : memref<8x8x128xf32, #tpu.memory_space<vmem>>, vector<16xf32>,
            %parallel_loop3A_125 = arith.constant 16 : i32
            %parallel_loop3A_126 = arith.muli %parallel_loop3A_104, %parallel_loop3A_125 : i32
            %parallel_loop3A_127 = arith.constant 1 : i32
            %parallel_loop3A_128 = arith.index_cast %parallel_loop3A_102 : i32 to index
            %parallel_loop3A_129 = arith.index_cast %parallel_loop3A_127 : i32 to index
            %parallel_loop3A_130 = arith.index_cast %parallel_loop3A_126 : i32 to index
            %parallel_loop3A_131 = tpu.vector_load %arg7[%parallel_loop3A_128, %parallel_loop3A_129, %parallel_loop3A_130] {strides = array<i32>} : memref<8x8x128xf32, #tpu.memory_space<vmem>>, vector<16xf32>,
            tpu.vector_store %arg7[%parallel_loop3A_128, %parallel_loop3A_129, %parallel_loop3A_130], %parallel_loop3A_111 {strides = array<i32>} : memref<8x8x128xf32, #tpu.memory_space<vmem>>, vector<16xf32>,
            %parallel_loop3A_132 = arith.constant 16 : i32
            %parallel_loop3A_133 = arith.muli %parallel_loop3A_104, %parallel_loop3A_132 : i32
            %parallel_loop3A_134 = arith.constant 2 : i32
            %parallel_loop3A_135 = arith.index_cast %parallel_loop3A_102 : i32 to index
            %parallel_loop3A_136 = arith.index_cast %parallel_loop3A_134 : i32 to index
            %parallel_loop3A_137 = arith.index_cast %parallel_loop3A_133 : i32 to index
            %parallel_loop3A_138 = tpu.vector_load %arg7[%parallel_loop3A_135, %parallel_loop3A_136, %parallel_loop3A_137] {strides = array<i32>} : memref<8x8x128xf32, #tpu.memory_space<vmem>>, vector<16xf32>,
            tpu.vector_store %arg7[%parallel_loop3A_135, %parallel_loop3A_136, %parallel_loop3A_137], %parallel_loop3A_112 {strides = array<i32>} : memref<8x8x128xf32, #tpu.memory_space<vmem>>, vector<16xf32>,
            %parallel_loop3A_139 = arith.constant 16 : i32
            %parallel_loop3A_140 = arith.muli %parallel_loop3A_104, %parallel_loop3A_139 : i32
            %parallel_loop3A_141 = arith.constant 3 : i32
            %parallel_loop3A_142 = arith.index_cast %parallel_loop3A_102 : i32 to index
            %parallel_loop3A_143 = arith.index_cast %parallel_loop3A_141 : i32 to index
            %parallel_loop3A_144 = arith.index_cast %parallel_loop3A_140 : i32 to index
            %parallel_loop3A_145 = tpu.vector_load %arg7[%parallel_loop3A_142, %parallel_loop3A_143, %parallel_loop3A_144] {strides = array<i32>} : memref<8x8x128xf32, #tpu.memory_space<vmem>>, vector<16xf32>,
            tpu.vector_store %arg7[%parallel_loop3A_142, %parallel_loop3A_143, %parallel_loop3A_144], %parallel_loop3A_113 {strides = array<i32>} : memref<8x8x128xf32, #tpu.memory_space<vmem>>, vector<16xf32>,
            %parallel_loop3A_146 = arith.constant 16 : i32
            %parallel_loop3A_147 = arith.muli %parallel_loop3A_104, %parallel_loop3A_146 : i32
            %parallel_loop3A_148 = arith.constant 4 : i32
            %parallel_loop3A_149 = arith.index_cast %parallel_loop3A_102 : i32 to index
            %parallel_loop3A_150 = arith.index_cast %parallel_loop3A_148 : i32 to index
            %parallel_loop3A_151 = arith.index_cast %parallel_loop3A_147 : i32 to index
            %parallel_loop3A_152 = tpu.vector_load %arg7[%parallel_loop3A_149, %parallel_loop3A_150, %parallel_loop3A_151] {strides = array<i32>} : memref<8x8x128xf32, #tpu.memory_space<vmem>>, vector<16xf32>,
            tpu.vector_store %arg7[%parallel_loop3A_149, %parallel_loop3A_150, %parallel_loop3A_151], %parallel_loop3A_114 {strides = array<i32>} : memref<8x8x128xf32, #tpu.memory_space<vmem>>, vector<16xf32>,
            %parallel_loop3A_153 = arith.constant 16 : i32
            %parallel_loop3A_154 = arith.muli %parallel_loop3A_104, %parallel_loop3A_153 : i32
            %parallel_loop3A_155 = arith.constant 5 : i32
            %parallel_loop3A_156 = arith.index_cast %parallel_loop3A_102 : i32 to index
            %parallel_loop3A_157 = arith.index_cast %parallel_loop3A_155 : i32 to index
            %parallel_loop3A_158 = arith.index_cast %parallel_loop3A_154 : i32 to index
            %parallel_loop3A_159 = tpu.vector_load %arg7[%parallel_loop3A_156, %parallel_loop3A_157, %parallel_loop3A_158] {strides = array<i32>} : memref<8x8x128xf32, #tpu.memory_space<vmem>>, vector<16xf32>,
            tpu.vector_store %arg7[%parallel_loop3A_156, %parallel_loop3A_157, %parallel_loop3A_158], %parallel_loop3A_115 {strides = array<i32>} : memref<8x8x128xf32, #tpu.memory_space<vmem>>, vector<16xf32>,
            %parallel_loop3A_160 = arith.constant 16 : i32
            %parallel_loop3A_161 = arith.muli %parallel_loop3A_104, %parallel_loop3A_160 : i32
            %parallel_loop3A_162 = arith.constant 6 : i32
            %parallel_loop3A_163 = arith.index_cast %parallel_loop3A_102 : i32 to index
            %parallel_loop3A_164 = arith.index_cast %parallel_loop3A_162 : i32 to index
            %parallel_loop3A_165 = arith.index_cast %parallel_loop3A_161 : i32 to index
            %parallel_loop3A_166 = tpu.vector_load %arg7[%parallel_loop3A_163, %parallel_loop3A_164, %parallel_loop3A_165] {strides = array<i32>} : memref<8x8x128xf32, #tpu.memory_space<vmem>>, vector<16xf32>,
            tpu.vector_store %arg7[%parallel_loop3A_163, %parallel_loop3A_164, %parallel_loop3A_165], %parallel_loop3A_116 {strides = array<i32>} : memref<8x8x128xf32, #tpu.memory_space<vmem>>, vector<16xf32>,
            %parallel_loop3A_167 = arith.constant 16 : i32
            %parallel_loop3A_168 = arith.muli %parallel_loop3A_104, %parallel_loop3A_167 : i32
            %parallel_loop3A_169 = arith.constant 7 : i32
            %parallel_loop3A_170 = arith.index_cast %parallel_loop3A_102 : i32 to index
            %parallel_loop3A_171 = arith.index_cast %parallel_loop3A_169 : i32 to index
            %parallel_loop3A_172 = arith.index_cast %parallel_loop3A_168 : i32 to index
            %parallel_loop3A_173 = tpu.vector_load %arg7[%parallel_loop3A_170, %parallel_loop3A_171, %parallel_loop3A_172] {strides = array<i32>} : memref<8x8x128xf32, #tpu.memory_space<vmem>>, vector<16xf32>,
            tpu.vector_store %arg7[%parallel_loop3A_170, %parallel_loop3A_171, %parallel_loop3A_172], %parallel_loop3A_117 {strides = array<i32>} : memref<8x8x128xf32, #tpu.memory_space<vmem>>, vector<16xf32>,
          } {sc.loop_unroll_factor = 3 : i64, sc.parallel_access}
          %dma_start3A = arith.constant 0 : i32
          %dma_start3A_71 = arith.constant 0 : i32
          %dma_start3A_72 = arith.constant 0 : i32
          %dma_start3A_73 = tpu.memref_slice %arg4[%add3A_64, %add3A_27, %dma_start3A, %dma_start3A_71, %dma_start3A_72] : memref<50x125x8x8x128xf32, #tpu.memory_space<hbm>> -> memref<1x1x8x8x128xf32, #tpu.memory_space<hbm>>
          %dma_start3A_74 = tpu.memref_squeeze %dma_start3A_73 : memref<1x1x8x8x128xf32, #tpu.memory_space<hbm>> -> memref<8x8x128xf32, #tpu.memory_space<hbm>>
          %dma_start3A_75 = arith.constant 0 : i32
          %dma_start3A_76 = arith.constant 0 : i32
          %dma_start3A_77 = arith.constant 0 : i32
          %dma_start3A_78 = tpu.memref_slice %arg4[%add3A_64, %add3A_27, %dma_start3A_75, %dma_start3A_76, %dma_start3A_77] : memref<50x125x8x8x128xf32, #tpu.memory_space<hbm>> -> memref<1x1x8x8x128xf32, #tpu.memory_space<hbm>>
          %dma_start3A_79 = tpu.memref_squeeze %dma_start3A_78 : memref<1x1x8x8x128xf32, #tpu.memory_space<hbm>> -> memref<8x8x128xf32, #tpu.memory_space<hbm>>
          tpu.enqueue_dma source(%arg7 : memref<8x8x128xf32, #tpu.memory_space<vmem>>) target(%dma_start3A_79 : memref<8x8x128xf32, #tpu.memory_space<hbm>>) target_semaphore(%arg9 : memref<!tpu.dma_semaphore, #tpu.memory_space<semaphore_mem>>)
          %add3A_80 = arith.constant 1 : i32
          %add3A_81 = arith.addi %add3A_62, %add3A_80 : i32
          %ge3A_82 = arith.constant 2 : i32
          %ge3A_83 = arith.cmpi sge, %add3A_81, %ge3A_82 : i32
          %convert_element_type3A_84 = arith.extui %ge3A_83 : i1 to i32
          %cond3A_85 = arith.constant 0 : i32
          %cond3A_86 = arith.cmpi ne, %convert_element_type3A_84, %cond3A_85 : i32
          scf.if %cond3A_86 {
            %sub3A = arith.constant 2 : i32
            %sub3A_100 = arith.subi %add3A_81, %sub3A : i32
            %dma_wait3A_101 = arith.constant 0 : i32
            %dma_wait3A_102 = arith.constant 0 : i32
            %dma_wait3A_103 = arith.constant 0 : i32
            %dma_wait3A_104 = tpu.memref_slice %arg4[%sub3A_100, %add3A_27, %dma_wait3A_101, %dma_wait3A_102, %dma_wait3A_103] : memref<50x125x8x8x128xf32, #tpu.memory_space<hbm>> -> memref<1x1x8x8x128xf32, #tpu.memory_space<hbm>>
            %dma_wait3A_105 = tpu.memref_squeeze %dma_wait3A_104 : memref<1x1x8x8x128xf32, #tpu.memory_space<hbm>> -> memref<8x8x128xf32, #tpu.memory_space<hbm>>
            %dma_wait3A_106 = arith.constant 0 : i32
            %dma_wait3A_107 = arith.constant 0 : i32
            %dma_wait3A_108 = arith.constant 0 : i32
            %dma_wait3A_109 = tpu.memref_slice %arg4[%sub3A_100, %add3A_27, %dma_wait3A_106, %dma_wait3A_107, %dma_wait3A_108] : memref<50x125x8x8x128xf32, #tpu.memory_space<hbm>> -> memref<1x1x8x8x128xf32, #tpu.memory_space<hbm>>
            %dma_wait3A_110 = tpu.memref_squeeze %dma_wait3A_109 : memref<1x1x8x8x128xf32, #tpu.memory_space<hbm>> -> memref<8x8x128xf32, #tpu.memory_space<hbm>>
            tpu.wait_dma2 semaphore(%arg10 : memref<!tpu.dma_semaphore, #tpu.memory_space<semaphore_mem>>) src(%arg8 : memref<8x8x128xf32, #tpu.memory_space<vmem>>) dst(%dma_wait3A_110 : memref<8x8x128xf32, #tpu.memory_space<hbm>>)
          } else {
          }
          %parallel_loop3A_87 = arith.constant 0 : i32
          %parallel_loop3A_88 = arith.constant 64 : i32
          %parallel_loop3A_89 = arith.constant 1 : i32
          scf.for %parallel_loop3A_100 = %parallel_loop3A_87 to %parallel_loop3A_88 step %parallel_loop3A_89  : i32 {
            %parallel_loop3A_101 = arith.constant 3 : i32
            %parallel_loop3A_102 = arith.shrsi %parallel_loop3A_100, %parallel_loop3A_101 : i32
            %parallel_loop3A_103 = arith.constant 7 : i32
            %parallel_loop3A_104 = arith.andi %parallel_loop3A_100, %parallel_loop3A_103 : i32
            %parallel_loop3A_105 = arith.constant 16 : i32
            %parallel_loop3A_106 = arith.muli %parallel_loop3A_100, %parallel_loop3A_105 : i32
            %parallel_loop3A_107 = arith.index_cast %add3A_81 : i32 to index
            %parallel_loop3A_108 = arith.index_cast %parallel_loop3A_106 : i32 to index
            %parallel_loop3A_109 = tpu.vector_load %arg5[%parallel_loop3A_107, %parallel_loop3A_108] {strides = array<i32>} : memref<50x1024xi32, #tpu.memory_space<vmem>>, vector<16xi32>,
            %parallel_loop3A_110 = tpu.vector_load_idx %arg6[%broadcast_in_dim3A_1, %parallel_loop3A_109] : memref<8x1000xf32, #tpu.memory_space<vmem>>[vector<16xi32>, vector<16xi32>], vector<16xf32>,
            %parallel_loop3A_111 = tpu.vector_load_idx %arg6[%broadcast_in_dim3A_3, %parallel_loop3A_109] : memref<8x1000xf32, #tpu.memory_space<vmem>>[vector<16xi32>, vector<16xi32>], vector<16xf32>,
            %parallel_loop3A_112 = tpu.vector_load_idx %arg6[%broadcast_in_dim3A_5, %parallel_loop3A_109] : memref<8x1000xf32, #tpu.memory_space<vmem>>[vector<16xi32>, vector<16xi32>], vector<16xf32>,
            %parallel_loop3A_113 = tpu.vector_load_idx %arg6[%broadcast_in_dim3A_7, %parallel_loop3A_109] : memref<8x1000xf32, #tpu.memory_space<vmem>>[vector<16xi32>, vector<16xi32>], vector<16xf32>,
            %parallel_loop3A_114 = tpu.vector_load_idx %arg6[%broadcast_in_dim3A_9, %parallel_loop3A_109] : memref<8x1000xf32, #tpu.memory_space<vmem>>[vector<16xi32>, vector<16xi32>], vector<16xf32>,
            %parallel_loop3A_115 = tpu.vector_load_idx %arg6[%broadcast_in_dim3A_11, %parallel_loop3A_109] : memref<8x1000xf32, #tpu.memory_space<vmem>>[vector<16xi32>, vector<16xi32>], vector<16xf32>,
            %parallel_loop3A_116 = tpu.vector_load_idx %arg6[%broadcast_in_dim3A_13, %parallel_loop3A_109] : memref<8x1000xf32, #tpu.memory_space<vmem>>[vector<16xi32>, vector<16xi32>], vector<16xf32>,
            %parallel_loop3A_117 = tpu.vector_load_idx %arg6[%broadcast_in_dim3A_15, %parallel_loop3A_109] : memref<8x1000xf32, #tpu.memory_space<vmem>>[vector<16xi32>, vector<16xi32>], vector<16xf32>,
            %parallel_loop3A_118 = arith.constant 16 : i32
            %parallel_loop3A_119 = arith.muli %parallel_loop3A_104, %parallel_loop3A_118 : i32
            %parallel_loop3A_120 = arith.constant 0 : i32
            %parallel_loop3A_121 = arith.index_cast %parallel_loop3A_102 : i32 to index
            %parallel_loop3A_122 = arith.index_cast %parallel_loop3A_120 : i32 to index
            %parallel_loop3A_123 = arith.index_cast %parallel_loop3A_119 : i32 to index
            %parallel_loop3A_124 = tpu.vector_load %arg8[%parallel_loop3A_121, %parallel_loop3A_122, %parallel_loop3A_123] {strides = array<i32>} : memref<8x8x128xf32, #tpu.memory_space<vmem>>, vector<16xf32>,
            tpu.vector_store %arg8[%parallel_loop3A_121, %parallel_loop3A_122, %parallel_loop3A_123], %parallel_loop3A_110 {strides = array<i32>} : memref<8x8x128xf32, #tpu.memory_space<vmem>>, vector<16xf32>,
            %parallel_loop3A_125 = arith.constant 16 : i32
            %parallel_loop3A_126 = arith.muli %parallel_loop3A_104, %parallel_loop3A_125 : i32
            %parallel_loop3A_127 = arith.constant 1 : i32
            %parallel_loop3A_128 = arith.index_cast %parallel_loop3A_102 : i32 to index
            %parallel_loop3A_129 = arith.index_cast %parallel_loop3A_127 : i32 to index
            %parallel_loop3A_130 = arith.index_cast %parallel_loop3A_126 : i32 to index
            %parallel_loop3A_131 = tpu.vector_load %arg8[%parallel_loop3A_128, %parallel_loop3A_129, %parallel_loop3A_130] {strides = array<i32>} : memref<8x8x128xf32, #tpu.memory_space<vmem>>, vector<16xf32>,
            tpu.vector_store %arg8[%parallel_loop3A_128, %parallel_loop3A_129, %parallel_loop3A_130], %parallel_loop3A_111 {strides = array<i32>} : memref<8x8x128xf32, #tpu.memory_space<vmem>>, vector<16xf32>,
            %parallel_loop3A_132 = arith.constant 16 : i32
            %parallel_loop3A_133 = arith.muli %parallel_loop3A_104, %parallel_loop3A_132 : i32
            %parallel_loop3A_134 = arith.constant 2 : i32
            %parallel_loop3A_135 = arith.index_cast %parallel_loop3A_102 : i32 to index
            %parallel_loop3A_136 = arith.index_cast %parallel_loop3A_134 : i32 to index
            %parallel_loop3A_137 = arith.index_cast %parallel_loop3A_133 : i32 to index
            %parallel_loop3A_138 = tpu.vector_load %arg8[%parallel_loop3A_135, %parallel_loop3A_136, %parallel_loop3A_137] {strides = array<i32>} : memref<8x8x128xf32, #tpu.memory_space<vmem>>, vector<16xf32>,
            tpu.vector_store %arg8[%parallel_loop3A_135, %parallel_loop3A_136, %parallel_loop3A_137], %parallel_loop3A_112 {strides = array<i32>} : memref<8x8x128xf32, #tpu.memory_space<vmem>>, vector<16xf32>,
            %parallel_loop3A_139 = arith.constant 16 : i32
            %parallel_loop3A_140 = arith.muli %parallel_loop3A_104, %parallel_loop3A_139 : i32
            %parallel_loop3A_141 = arith.constant 3 : i32
            %parallel_loop3A_142 = arith.index_cast %parallel_loop3A_102 : i32 to index
            %parallel_loop3A_143 = arith.index_cast %parallel_loop3A_141 : i32 to index
            %parallel_loop3A_144 = arith.index_cast %parallel_loop3A_140 : i32 to index
            %parallel_loop3A_145 = tpu.vector_load %arg8[%parallel_loop3A_142, %parallel_loop3A_143, %parallel_loop3A_144] {strides = array<i32>} : memref<8x8x128xf32, #tpu.memory_space<vmem>>, vector<16xf32>,
            tpu.vector_store %arg8[%parallel_loop3A_142, %parallel_loop3A_143, %parallel_loop3A_144], %parallel_loop3A_113 {strides = array<i32>} : memref<8x8x128xf32, #tpu.memory_space<vmem>>, vector<16xf32>,
            %parallel_loop3A_146 = arith.constant 16 : i32
            %parallel_loop3A_147 = arith.muli %parallel_loop3A_104, %parallel_loop3A_146 : i32
            %parallel_loop3A_148 = arith.constant 4 : i32
            %parallel_loop3A_149 = arith.index_cast %parallel_loop3A_102 : i32 to index
            %parallel_loop3A_150 = arith.index_cast %parallel_loop3A_148 : i32 to index
            %parallel_loop3A_151 = arith.index_cast %parallel_loop3A_147 : i32 to index
            %parallel_loop3A_152 = tpu.vector_load %arg8[%parallel_loop3A_149, %parallel_loop3A_150, %parallel_loop3A_151] {strides = array<i32>} : memref<8x8x128xf32, #tpu.memory_space<vmem>>, vector<16xf32>,
            tpu.vector_store %arg8[%parallel_loop3A_149, %parallel_loop3A_150, %parallel_loop3A_151], %parallel_loop3A_114 {strides = array<i32>} : memref<8x8x128xf32, #tpu.memory_space<vmem>>, vector<16xf32>,
            %parallel_loop3A_153 = arith.constant 16 : i32
            %parallel_loop3A_154 = arith.muli %parallel_loop3A_104, %parallel_loop3A_153 : i32
            %parallel_loop3A_155 = arith.constant 5 : i32
            %parallel_loop3A_156 = arith.index_cast %parallel_loop3A_102 : i32 to index
            %parallel_loop3A_157 = arith.index_cast %parallel_loop3A_155 : i32 to index
            %parallel_loop3A_158 = arith.index_cast %parallel_loop3A_154 : i32 to index
            %parallel_loop3A_159 = tpu.vector_load %arg8[%parallel_loop3A_156, %parallel_loop3A_157, %parallel_loop3A_158] {strides = array<i32>} : memref<8x8x128xf32, #tpu.memory_space<vmem>>, vector<16xf32>,
            tpu.vector_store %arg8[%parallel_loop3A_156, %parallel_loop3A_157, %parallel_loop3A_158], %parallel_loop3A_115 {strides = array<i32>} : memref<8x8x128xf32, #tpu.memory_space<vmem>>, vector<16xf32>,
            %parallel_loop3A_160 = arith.constant 16 : i32
            %parallel_loop3A_161 = arith.muli %parallel_loop3A_104, %parallel_loop3A_160 : i32
            %parallel_loop3A_162 = arith.constant 6 : i32
            %parallel_loop3A_163 = arith.index_cast %parallel_loop3A_102 : i32 to index
            %parallel_loop3A_164 = arith.index_cast %parallel_loop3A_162 : i32 to index
            %parallel_loop3A_165 = arith.index_cast %parallel_loop3A_161 : i32 to index
            %parallel_loop3A_166 = tpu.vector_load %arg8[%parallel_loop3A_163, %parallel_loop3A_164, %parallel_loop3A_165] {strides = array<i32>} : memref<8x8x128xf32, #tpu.memory_space<vmem>>, vector<16xf32>,
            tpu.vector_store %arg8[%parallel_loop3A_163, %parallel_loop3A_164, %parallel_loop3A_165], %parallel_loop3A_116 {strides = array<i32>} : memref<8x8x128xf32, #tpu.memory_space<vmem>>, vector<16xf32>,
            %parallel_loop3A_167 = arith.constant 16 : i32
            %parallel_loop3A_168 = arith.muli %parallel_loop3A_104, %parallel_loop3A_167 : i32
            %parallel_loop3A_169 = arith.constant 7 : i32
            %parallel_loop3A_170 = arith.index_cast %parallel_loop3A_102 : i32 to index
            %parallel_loop3A_171 = arith.index_cast %parallel_loop3A_169 : i32 to index
            %parallel_loop3A_172 = arith.index_cast %parallel_loop3A_168 : i32 to index
            %parallel_loop3A_173 = tpu.vector_load %arg8[%parallel_loop3A_170, %parallel_loop3A_171, %parallel_loop3A_172] {strides = array<i32>} : memref<8x8x128xf32, #tpu.memory_space<vmem>>, vector<16xf32>,
            tpu.vector_store %arg8[%parallel_loop3A_170, %parallel_loop3A_171, %parallel_loop3A_172], %parallel_loop3A_117 {strides = array<i32>} : memref<8x8x128xf32, #tpu.memory_space<vmem>>, vector<16xf32>,
          } {sc.loop_unroll_factor = 3 : i64, sc.parallel_access}
          %dma_start3A_90 = arith.constant 0 : i32
          %dma_start3A_91 = arith.constant 0 : i32
          %dma_start3A_92 = arith.constant 0 : i32
          %dma_start3A_93 = tpu.memref_slice %arg4[%add3A_81, %add3A_27, %dma_start3A_90, %dma_start3A_91, %dma_start3A_92] : memref<50x125x8x8x128xf32, #tpu.memory_space<hbm>> -> memref<1x1x8x8x128xf32, #tpu.memory_space<hbm>>
          %dma_start3A_94 = tpu.memref_squeeze %dma_start3A_93 : memref<1x1x8x8x128xf32, #tpu.memory_space<hbm>> -> memref<8x8x128xf32, #tpu.memory_space<hbm>>
          %dma_start3A_95 = arith.constant 0 : i32
          %dma_start3A_96 = arith.constant 0 : i32
          %dma_start3A_97 = arith.constant 0 : i32
          %dma_start3A_98 = tpu.memref_slice %arg4[%add3A_81, %add3A_27, %dma_start3A_95, %dma_start3A_96, %dma_start3A_97] : memref<50x125x8x8x128xf32, #tpu.memory_space<hbm>> -> memref<1x1x8x8x128xf32, #tpu.memory_space<hbm>>
          %dma_start3A_99 = tpu.memref_squeeze %dma_start3A_98 : memref<1x1x8x8x128xf32, #tpu.memory_space<hbm>> -> memref<8x8x128xf32, #tpu.memory_space<hbm>>
          tpu.enqueue_dma source(%arg8 : memref<8x8x128xf32, #tpu.memory_space<vmem>>) target(%dma_start3A_99 : memref<8x8x128xf32, #tpu.memory_space<hbm>>) target_semaphore(%arg10 : memref<!tpu.dma_semaphore, #tpu.memory_space<semaphore_mem>>)
        }
        %scan3A_36 = arith.constant 25 : i32
        %dma_wait3A = arith.constant 48 : i32
        %dma_wait3A_37 = arith.constant 0 : i32
        %dma_wait3A_38 = arith.constant 0 : i32
        %dma_wait3A_39 = arith.constant 0 : i32
        %dma_wait3A_40 = tpu.memref_slice %arg4[%dma_wait3A, %add3A_27, %dma_wait3A_37, %dma_wait3A_38, %dma_wait3A_39] : memref<50x125x8x8x128xf32, #tpu.memory_space<hbm>> -> memref<1x1x8x8x128xf32, #tpu.memory_space<hbm>>
        %dma_wait3A_41 = tpu.memref_squeeze %dma_wait3A_40 : memref<1x1x8x8x128xf32, #tpu.memory_space<hbm>> -> memref<8x8x128xf32, #tpu.memory_space<hbm>>
        %dma_wait3A_42 = arith.constant 0 : i32
        %dma_wait3A_43 = arith.constant 0 : i32
        %dma_wait3A_44 = arith.constant 0 : i32
        %dma_wait3A_45 = tpu.memref_slice %arg4[%dma_wait3A, %add3A_27, %dma_wait3A_42, %dma_wait3A_43, %dma_wait3A_44] : memref<50x125x8x8x128xf32, #tpu.memory_space<hbm>> -> memref<1x1x8x8x128xf32, #tpu.memory_space<hbm>>
        %dma_wait3A_46 = tpu.memref_squeeze %dma_wait3A_45 : memref<1x1x8x8x128xf32, #tpu.memory_space<hbm>> -> memref<8x8x128xf32, #tpu.memory_space<hbm>>
        tpu.wait_dma2 semaphore(%arg9 : memref<!tpu.dma_semaphore, #tpu.memory_space<semaphore_mem>>) src(%arg7 : memref<8x8x128xf32, #tpu.memory_space<vmem>>) dst(%dma_wait3A_46 : memref<8x8x128xf32, #tpu.memory_space<hbm>>)
        %dma_wait3A_47 = arith.constant 49 : i32
        %dma_wait3A_48 = arith.constant 0 : i32
        %dma_wait3A_49 = arith.constant 0 : i32
        %dma_wait3A_50 = arith.constant 0 : i32
        %dma_wait3A_51 = tpu.memref_slice %arg4[%dma_wait3A_47, %add3A_27, %dma_wait3A_48, %dma_wait3A_49, %dma_wait3A_50] : memref<50x125x8x8x128xf32, #tpu.memory_space<hbm>> -> memref<1x1x8x8x128xf32, #tpu.memory_space<hbm>>
        %dma_wait3A_52 = tpu.memref_squeeze %dma_wait3A_51 : memref<1x1x8x8x128xf32, #tpu.memory_space<hbm>> -> memref<8x8x128xf32, #tpu.memory_space<hbm>>
        %dma_wait3A_53 = arith.constant 0 : i32
        %dma_wait3A_54 = arith.constant 0 : i32
        %dma_wait3A_55 = arith.constant 0 : i32
        %dma_wait3A_56 = tpu.memref_slice %arg4[%dma_wait3A_47, %add3A_27, %dma_wait3A_53, %dma_wait3A_54, %dma_wait3A_55] : memref<50x125x8x8x128xf32, #tpu.memory_space<hbm>> -> memref<1x1x8x8x128xf32, #tpu.memory_space<hbm>>
        %dma_wait3A_57 = tpu.memref_squeeze %dma_wait3A_56 : memref<1x1x8x8x128xf32, #tpu.memory_space<hbm>> -> memref<8x8x128xf32, #tpu.memory_space<hbm>>
        tpu.wait_dma2 semaphore(%arg10 : memref<!tpu.dma_semaphore, #tpu.memory_space<semaphore_mem>>) src(%arg8 : memref<8x8x128xf32, #tpu.memory_space<vmem>>) dst(%dma_wait3A_57 : memref<8x8x128xf32, #tpu.memory_space<hbm>>)
      } else {
      }
    }
    %scan3A_19 = arith.constant 4 : i32
    return
  }
}

</mosaic_0001>

<sc_bundles>
// kernel: kernel.3.cloned.1.call-start
scs
__scs_entry_jumppad:
0x0: {  	(pc) =	sbr.rel $0x88, $3  }
0x1: {  	(tag) =	ssettag $0x0;
	lr =	simm.s32 $0x1  }
0x2: {  	[smem:$0x3F9F] =	sst lr;
	_ =	strace $0xD0000000  }
0x3: {  	_ = 	snop  }
0x4: {  	_ = 	snop  }
0x5: {  	_ = 	snop  }
0x6: {  	_ = 	snop  }
0x7: {  	_ = 	snop  }
__scs_overlays_trampoline_lowered:
0x8: {  	[smem:$0x3FAE] =	sst s0  }
0x9: {  	[smem:$0x3FAF] =	sst s1  }
0xa: {  	[smem:$0x3FB0] =	sst s2  }
0xb: {  	[smem:$0x3FB1] =	sst s3  }
0xc: {  	[smem:$0x3FB2] =	sst s4  }
0xd: {  	[smem:$0x3FB3] =	sst s5  }
0xe: {  	[smem:$0x3FB4] =	sst s6  }
0xf: {  	[smem:$0x3FB5] =	sst s7  }
0x10: {  	[smem:$0x3FB6] =	sst s8  }
0x11: {  	[smem:$0x3FB7] =	sst s9;
	s0 =	simm.s32 @!p0 $0x0  }
0x12: {  	s1 =	sld [smem:$0x3F9D];
	s0 =	simm.s32 @p0 $0x1  }
0x13: {  	[smem:$0x3FB8] =	sst s0;
	s0 =	simm.s32 @!p1 $0x0  }
0x14: {  	s2 =	sld [smem:$0x3F9C];
	s0 =	simm.s32 @p1 $0x1  }
0x15: {  	[smem:$0x3FB9] =	sst s0;
	s0 =	simm.s32 @!p2 $0x0  }
0x16: {  	s3 =	sld [smem:$0x3FDB];
	s0 =	simm.s32 @p2 $0x1  }
0x17: {  	s4 =	simm.s32 $0x1BF5;
	[smem:$0x3FBB] =	sst s0  }
0x18: {  	s0 =	sld [smem:$0x3F9E];
	_ =	swait.ge [sflag:s4], $0x0  }
0x19: {  	s7 =	sld [smem:$0x3F9F]  }
0x1a: {  	s8 =	sadd.s32 $0xFFFFE003, lr  }
0x1b: {  	s9 =	sadd.s32 $0xFFFFFEF7, lr;
	s5 =	simm.s32 $0xFFFFFFFF;
	p2 =	slt.u32 s8, $0xFFFFF086  }
0x1c: {  	p1 =	slt.u32 s9, $0xF7A;
	s5 =	simm.s32 @!p2 $0x0  }
0x1d: {  	s5 =	simm.s32 @p1 $0x1;
	p0 =	seq.s32 s7, s2  }
0x1e: {  	s7 =	smul.u32 @!p0 $0xF7A, s2;
	p2 =	seq.s32 @!p0 s5, $0x0  }
0x1f: {  	s9 =	smul.u32 $0xF7A, s1;
	s8 =	simm.s32 @!p0 $0x1BF5;
	p2 =	por !p2, p0  }
0x20: {  	[sflag:s8] =	ssyncset.s32 @!p0 $0xFFFFF086;
	s6 =	sadd.s32 @!p0 s3, s7;
	s7 =	simm.s32 @!p0 $0x108  }
0x21: {  	s3 =	sadd.s32 s3, s9;
	s6 =	sadd.s32 @!p0 $0x88, s6;
	s7 =	simm.s32 @p2 $0x1082  }
0x22: {  	[simem:s7], [sflag:s8] =	dma.local @!p0 [hbm:s6], $0xF7A  }
0x23: {  	s9 =	sor.u32 $0xD0000000, s2;
	s6 =	simm.s32 $0x108;
	_ =	swait.ge @!p0 [sflag:s8], $0x0  }
0x24: {  	s3 =	sadd.s32 $0x88, s3;
	s6 =	simm.s32 @!p1 $0x1082;
	[sflag:s4] =	ssyncset.s32 $0xFFFFF086  }
0x25: {  	[simem:s6], [sflag:s4] =	dma.local [hbm:s3], $0xF7A  }
0x26: {  	[smem:$0x3F9F] =	sst s1;
	(tag) =	ssettag s2;
	_ =	strace s9  }
0x27: {  	s1 =	sld [smem:$0x3FAF]  }
0x28: {  	s2 =	sld [smem:$0x3FB0]  }
0x29: {  	s4 =	sld [smem:$0x3FB2]  }
0x2a: {  	p0 =	seq.s32 s5, $0x0;
	s5 =	sld [smem:$0x3FB3]  }
0x2b: {  	s6 =	sld [smem:$0x3FB4]  }
0x2c: {  	s7 =	sld [smem:$0x3FB5]  }
0x2d: {  	s3 =	simm.s32 $0x108;
	s8 =	sld [smem:$0x3FB6]  }
0x2e: {  	s3 =	simm.s32 @!p0 $0x1082;
	s9 =	sld [smem:$0x3FB7]  }
0x2f: {  	lr =	sadd.s32 s0, s3;
	s0 =	sld [smem:$0x3FAE]  }
0x30: {  	s3 =	sld [smem:$0x3FB1]  }
0x31: {  	[smem:$0x3FBA] =	sst s10  }
0x32: {  	s10 =	sld [smem:$0x3FB8];
	_ =	sdelay $0x3  }
0x33: {  	p0 =	seq.s32 s10, $0x1;
	s10 =	sld [smem:$0x3FBA];
	_ =	sdelay $0x3  }
0x34: {  	[smem:$0x3FBA] =	sst s10  }
0x35: {  	s10 =	sld [smem:$0x3FB9];
	_ =	sdelay $0x3  }
0x36: {  	p1 =	seq.s32 s10, $0x1;
	s10 =	sld [smem:$0x3FBA];
	_ =	sdelay $0x3  }
0x37: {  	[smem:$0x3FBA] =	sst s10  }
0x38: {  	s10 =	sld [smem:$0x3FBB]  }
0x39: {  	_ = 	snop;
	(pc) =	sbr.ind lr, $3  }
0x3a: {  	_ = 	snop  }
0x3b: {  	_ = 	snop  }
0x3c: {  	p2 =	seq.s32 s10, $0x1;
	s10 =	sld [smem:$0x3FBA]  }
0x3d: {  	_ =	shalt  }
0x3e: {  	_ =	shalt  }
0x3f: {  	_ =	shalt  }
0x40: {  	_ =	shalt  }
0x41: {  	_ =	shalt  }
0x42: {  	_ =	shalt  }
0x43: {  	_ =	shalt  }
0x44: {  	_ =	shalt  }
0x45: {  	_ =	shalt  }
0x46: {  	_ =	shalt  }
0x47: {  	_ =	shalt  }
0x48: {  	_ =	shalt  }
0x49: {  	_ =	shalt  }
0x4a: {  	_ =	shalt  }
0x4b: {  	_ =	shalt  }
0x4c: {  	_ =	shalt  }
0x4d: {  	_ =	shalt  }
0x4e: {  	_ =	shalt  }
0x4f: {  	_ =	shalt  }
0x50: {  	_ =	shalt  }
0x51: {  	_ =	shalt  }
0x52: {  	_ =	shalt  }
0x53: {  	_ =	shalt  }
0x54: {  	_ =	shalt  }
0x55: {  	_ =	shalt  }
0x56: {  	_ =	shalt  }
0x57: {  	_ =	shalt  }
0x58: {  	_ =	shalt  }
0x59: {  	_ =	shalt  }
0x5a: {  	_ =	shalt  }
0x5b: {  	_ =	shalt  }
0x5c: {  	_ =	shalt  }
0x5d: {  	_ =	shalt  }
0x5e: {  	_ =	shalt  }
0x5f: {  	_ =	shalt  }
0x60: {  	_ =	shalt  }
0x61: {  	_ =	shalt  }
0x62: {  	_ =	shalt  }
0x63: {  	_ =	shalt  }
0x64: {  	_ =	shalt  }
0x65: {  	_ =	shalt  }
0x66: {  	_ =	shalt  }
0x67: {  	_ =	shalt  }
0x68: {  	_ =	shalt  }
0x69: {  	_ =	shalt  }
0x6a: {  	_ =	shalt  }
0x6b: {  	_ =	shalt  }
0x6c: {  	_ =	shalt  }
0x6d: {  	_ =	shalt  }
0x6e: {  	_ =	shalt  }
0x6f: {  	_ =	shalt  }
0x70: {  	_ =	shalt  }
0x71: {  	_ =	shalt  }
0x72: {  	_ =	shalt  }
0x73: {  	_ =	shalt  }
0x74: {  	_ =	shalt  }
0x75: {  	_ =	shalt  }
0x76: {  	_ =	shalt  }
0x77: {  	_ =	shalt  }
0x78: {  	_ =	shalt  }
0x79: {  	_ =	shalt  }
0x7a: {  	_ =	shalt  }
0x7b: {  	_ =	shalt  }
0x7c: {  	_ =	shalt  }
0x7d: {  	_ =	shalt  }
0x7e: {  	_ =	shalt  }
0x7f: {  	_ =	shalt  }
0x80: {  	_ =	shalt  }
0x81: {  	_ =	shalt  }
0x82: {  	_ =	shalt  }
0x83: {  	_ =	shalt  }
0x84: {  	_ =	shalt  }
0x85: {  	_ =	shalt  }
0x86: {  	_ =	shalt  }
0x87: {  	_ =	shalt  }
.Lfunc_end0:
.L_simem_size_0:
called_computation_lowered:
.L_overlay_start_0:
0x88: {  	s2 =	sld [smem:$0x3FD9]  }
0x89: {  	s3 =	sld [smem:$0x3FFE];
	_ =	sdelay $0x1  }
0x8a: {  	s1 =	srdreg.scid  }
0x8b: {  	s0 =	sand.u32 $0x1, s1  }
0x8c: {  	s17 =	sshll.u32 s0, $0xA;
	s2 =	sadd.s32 s3, s2  }
0x8d: {  	s2 =	sadd.s32 s2, s17  }
0x8e: {  	[smem:$0x3FC6] =	sst s2  }
0x8f: {  	_ = 	snop  }
0x90: {  	s2 =	sld [smem:$0x3FD0];
	(tm) =	ssettm $0x1  }
0x91: {  	s18 =	sld [smem:$0x3FFB];
	_ =	sdelay $0x3  }
0x92: {  	_ =	strace s18  }
0x93: {  	s3 =	sld [smem:$0x3FFC];
	_ =	sdelay $0x3  }
0x94: {  	_ =	strace s3  }
0x95: {  	s3 =	sld [smem:$0x3FFD];
	_ =	sdelay $0x3  }
0x96: {  	_ =	strace s3  }
0x97: {  	_ =	strace $0x8FFFFFFF  }
0x98: {  	s19 =	sld [smem:$0x3FDB];
	_ =	sdelay $0x1  }
0x99: {  	s4 =	simm.s32 $_scs_section_size  }
0x9a: {  	s5 =	simm.s32 $_size__tile_overlayer_lowered;
	s6 =	simm.s32 $_tile_overlayer_lowered  }
0x9b: {  	s22 =	simm.s32 $0x1BFF;
	s21 =	sshll.u32 s6, $0x1;
	s3 =	sadd.s32 s4, s19  }
0x9c: {  	s7 =	simm.s32 $0x0;
	s20 =	sshll.u32 s5, $0x1;
	s5 =	sadd.s32 s21, s3  }
0x9d: {  	[timem:s7], [sflag:s22] =	dma.local [hbm:s5], s20  }
0x9e: {  	_ =	swait.ge [sflag:s22], s20  }
0x9f: {  	s4 =	ssub.s32 $0x0, s20;
	[sflag:s22] =	ssyncset.done $0x0  }
0xa0: {  	[sflag:s22] =	ssyncadd.s32 s4;
	_ =	sdelay $0x1  }
0xa1: {  	s23 =	simm.s32 $0x1B8B  }
0xa2: {  	_ =	swait.ge [sflag:s23], $0x1  }
0xa3: {  	[sflag:s23] =	ssyncset.done $0x0  }
0xa4: {  	s25 =	simm.s32 $0x1B8E;
	s24 =	sld [smem:$0x3FFE];
	[sflag:s23] =	ssyncadd.s32 $0xFFFFFFFF  }
0xa5: {  	s26 =	simm.s32 $execute0_lowered;
	[smem:$0x3FD2] =	sst s25  }
0xa6: {  	s5 =	sshll.u32 s26, $0x1;
	_ =	strace $0x80000046;
	[dreg:$0x1] =	wrdreg $0xFFFFFFFF  }
0xa7: {  	s28 =	simm.s32 $_size_execute0_lowered;
	s3 =	sadd.s32 s3, s5;
	[dreg:$0x0] =	wrdreg $0x0  }
0xa8: {  	s5 =	sshll.u32 s28, $0x1;
	[dreg:$0x2] =	wrdreg s3  }
0xa9: {  	[dreg:$0x3] =	wrdreg s5  }
0xaa: {  	[dreg:$0x4] =	wrdreg $0xC0  }
0xab: {  	_ =	task [dreg:s7], $0x5FFFF  }
0xac: {  	[dreg:$0x1] =	wrdreg $0xFFFFFFFF  }
0xad: {  	[dreg:$0x0] =	wrdreg $0x60  }
0xae: {  	[dreg:$0x2] =	wrdreg s24  }
0xaf: {  	[dreg:$0x3] =	wrdreg s2  }
0xb0: {  	[dreg:$0x4] =	wrdreg $0x9  }
0xb1: {  	_ =	task.clear_ibuf [dreg:s7], $0x5FFFF;
	_ =	strace $0x90000046  }
0xb2: {  	s29 =	simm.s32 $0x9;
	_ =	strace $0x80000048  }
0xb3: {  	_ =	swait.ge [sflag:s29], $0x1  }
0xb4: {  	[sflag:s29] =	ssyncadd.s32 $0xFFFFFFFF  }
0xb5: {  	_ =	strace $0x90000048  }
0xb6: {  	_ =	sfence  }
0xb7: {  	s30 =	sld [smem:$0x0];
	_ =	sdelay $0x2  }
0xb8: {  	s31 =	sshll.u32 s1, $0xD;
	s1 =	sshrl.u32 s1, $0x2  }
0xb9: {  	s3 =	sand.u32 $0x4000, s31;
	s1 =	sadd.s32 s1, s30  }
0xba: {  	s0 =	sor.u32 s3, s0;
	s1 =	sshll.u32 s1, $0x11  }
0xbb: {  	s0 =	sor.u32 s1, s0  }
0xbc: {  	s0 =	sadd.s32 $0x8F2B, s0  }
0xbd: {  	[sflag:s0] =	ssyncadd.remote.s32 $0x1  }
0xbe: {  	_ =	sfence.sel $0xFFFF  }
0xbf: {  	[dreg:$0x0] =	wrdreg $0xFFFFFFFF;
	(pc) =	sbr.abs _section_cstart, $3  }
0xc0: {  	[dreg:$0x1] =	wrdreg $0xFFFFFFFF  }
0xc1: {  	_ =	task.clear_ibuf [dreg:s7], $0x2FFFF;
	_ =	strace $0x9FFFFFFF  }
0xc2: {  	(tm) =	ssettm $0x7FFFFFFF  }
0xc3: {  	_ =	shalt  }
tec
execute0_lowered:
.L_overlay_start_1:
0x0: {  	(tag) =	ssettag $0x1  }
0x1: {  	s0 =	rddreg [dreg:$0x0]  }
0x2: {  	s1 =	rddreg [dreg:$0x1];
	s3 =	srdreg.scid  }
0x3: {  	s2 =	simm.s32 $0x0;
	s30 =	stileid.u32;
	s10 =	simm.s32 $0xC800  }
0x4: {  	s7 =	sand.u32 $0x1, s3;
	[smem:$0x7FF] =	sst s2;
	s29 =	sadd.s32 $0x400, s0  }
.Ltmp0:
0x5: {  	s0 =	sadd.s32 $0x1E00, s0;
	s4 =	ssub.s32 $0x2, s7;
	(pc) =	sbr.rel .LBB2_1-.Ltmp0, $4  }
0x6: {  	_ =	strace $0x80000047;
	[dreg:$0x3] =	wrdreg s29;
	s5 =	sshrl.u32 s4, $0x1  }
0x7: {  	s3 =	sshll.u32 s30, $0x1;
	[dreg:$0x4] =	wrdreg s0;
	s31 =	ssub.s32 s4, s5  }
0x8: {  	s11 =	simm.s32 $0xE740;
	[dreg:$0x5] =	wrdreg s3;
	s0 =	smax.u32 s31, $0x1  }
0x9: {  	s12 =	simm.s32 $0x10740;
	s4 =	simm.s32 $0x0;
	[dreg:$0x6] =	wrdreg s0  }
.LBB2_11:
0xa: {  	s4 =	rddreg [dreg:$0x7]  }
0xb: {  	s0 =	rddreg [dreg:$0x6];
	s4 =	sadd.s32 $0x1, s4  }
0xc: {  	p0 =	sne.s32 s4, s0  }
.Ltmp1:
0xd: {  	_ = 	snop;
	(pc) =	sbr.rel @!p0 .LBB2_12-.Ltmp1, $1  }
0xe: {  	_ =	sdelay $0x3  }
.LBB2_1:
0xf: {  	[dreg:$0x7] =	wrdreg s4  }
.Ltmp2:
0x10: {  	s0 =	rddreg [dreg:$0x3];
	s31 =	simm.s32 $0x3;
	(pc) =	sbr.rel .LBB2_2-.Ltmp2, $4  }
0x11: {  	[tilespmem:s2], [sflag:$0x3] =	stream.linear.gather [hbm4b:s0+s2], $0xC800, $0x38;
	[tilespmem:$0x12740] =	vst v63  }
0x12: {  	_ =	swait.ge [sflag:s31], $0xC800  }
0x13: {  	[sflag:s31] =	ssyncset.done $0x0  }
0x14: {  	s16 =	simm.s32 $0x0;
	[sflag:s31] =	ssyncadd.s32 $0xFFFF3800  }
.LBB2_10:
0x15: {  	s16 =	sadd.s32 $0x1, s16  }
0x16: {  	p0 =	sne.s32 s16, $0x4  }
.Ltmp3:
0x17: {  	_ = 	snop;
	(pc) =	sbr.rel @!p0 .LBB2_11-.Ltmp3, $1  }
0x18: {  	_ =	sdelay $0x3  }
.LBB2_2:
0x19: {  	s0 =	sshll.u32 s16, $0x5  }
0x1a: {  	s0 =	sor.u32 s0, s3  }
0x1b: {  	s0 =	sor.u32 s7, s0  }
0x1c: {  	p0 =	sgt.u32 s0, $0x7C  }
.Ltmp4:
0x1d: {  	_ = 	snop;
	(pc) =	sbr.rel @p0 .LBB2_10-.Ltmp4, $1  }
0x1e: {  	_ =	sdelay $0x3  }
0x1f: {  	s4 =	smul.u32 $0x3E8, s0  }
0x20: {  	s3 =	rddreg [dreg:$0x4]  }
0x21: {  	s17 =	simm.s32 $0x0;
	s31 =	simm.s32 $0x3;
	s4 =	sadd.s32 s3, s4  }
0x22: {  	[tilespmem:s10], [sflag:$0x3] =	stream.linear.gather [hbm4b:s4+s17], $0x1F40, $0x38;
	[tilespmem:$0x12740] =	vst v63  }
0x23: {  	_ =	swait.ge [sflag:s31], $0x1F40  }
0x24: {  	s18 =	sshll.u32 s0, $0xD;
	[sflag:s31] =	ssyncset.done $0x0  }
0x25: {  	s19 =	simm.s32 $0x10;
	s20 =	simm.s32 $0x420;
	[sflag:s31] =	ssyncadd.s32 $0xFFFFE0C0  }
.LBB2_4:
0x26: {  	p0 =	seq.s32 s17, $0x0  }
0x27: {  	s0 =	simm.s32 @!p0 $0x1  }
0x28: {  	_ =	swait.ge @!p0 [sflag:s0], $0x2000  }
0x29: {  	[sflag:s0] =	ssyncset.done @!p0 $0x0  }
0x2a: {  	[sflag:s0] =	ssyncadd.s32 @!p0 $0xFFFFE000  }
0x2b: {  	v3 =	vld [tilespmem:s19+$0x10]  }
0x2c: {  	v21 =	vld [tilespmem:s19+$0x0]  }
0x2d: {  	v9 =	vld [tilespmem:s19+$0xFFFFFFF0];
	_ =	sdelay $0x3  }
0x2e: {  	v0 =	vadd.s32 $0x1B58, v3  }
0x2f: {  	v4 =	vadd.s32 $0x3E8, v3  }
0x30: {  	v5 =	vadd.s32 $0x1770, v3;
	v8 =	vld.idx.msk [tilespmem:v3+s10+$0x0], $0xffff  }
0x31: {  	v6 =	vadd.s32 $0x1388, v3;
	v2 =	vld.idx.msk [tilespmem:v21+s10+$0x0], $0xffff  }
0x32: {  	v7 =	vadd.s32 $0x7D0, v3;
	v1 =	vld.idx.msk [tilespmem:v9+s10+$0x0], $0xffff  }
0x33: {  	v12 =	vadd.s32 $0xBB8, v3;
	v0 =	vld.idx.msk [tilespmem:v0+s10+$0x0], $0xffff  }
0x34: {  	v16 =	vadd.s32 $0x1388, v21;
	v11 =	vld.idx.msk [tilespmem:v4+s10+$0x0], $0xffff  }
0x35: {  	s25 =	sshll.u32 s17, $0xB;
	v3 =	vadd.s32 $0xFA0, v3;
	v18 =	vld.idx.msk [tilespmem:v5+s10+$0x0], $0xffff  }
0x36: {  	s21 =	sshll.u32 s17, $0x1;
	s29 =	simm.s32 $0x100;
	s30 =	simm.s32 $0x2;
	v24 =	vadd.s32 $0x1B58, v21;
	v13 =	vld.idx.msk [tilespmem:v6+s10+$0x0], $0xffff  }
0x37: {  	s4 =	simm.s32 $0x100;
	s22 =	sand.u32 $0x3FFFF800, s25;
	s25 =	simm.s32 $0x20;
	v23 =	vadd.s32 $0x1770, v21;
	v19 =	vld.idx.msk [tilespmem:v7+s10+$0x0], $0xffff  }
0x38: {  	s23 =	simm.s32 $0x1;
	s4 =	sand.u32 $0x3C00, s4;
	s5 =	sand.u32 $0x70, s25;
	v15 =	vadd.s32 $0x3E8, v21;
	v10 =	vadd.s32 $0x3E8, v9;
	v20 =	vld.idx.msk [tilespmem:v12+s10+$0x0], $0xffff  }
0x39: {  	s31 =	simm.s32 $0x0;
	s26 =	sand.u32 $0x7, s30;
	s28 =	sor.u32 s5, s4;
	v14 =	vadd.s32 $0xBB8, v21;
	v6 =	vadd.s32 $0x7D0, v9;
	v5 =	vadd.s32 $0xBB8, v9;
	v17 =	vld.idx.msk [tilespmem:v16+s10+$0x0], $0xffff  }
0x3a: {  	s4 =	simm.s32 $0x180;
	s5 =	simm.s32 $0x50;
	s0 =	sshll.u32 s26, $0x4;
	v7 =	vadd.s32 $0xFA0, v9;
	v4 =	vadd.s32 $0x1B58, v9;
	v12 =	vadd.s32 $0x1388, v9;
	v22 =	vld.idx.msk [tilespmem:v3+s10+$0x0], $0xffff  }
0x3b: {  	s26 =	simm.s32 $0x0;
	s24 =	sadd.s32 $0x100, s0;
	s0 =	sadd.s32 $0x30, s19;
	v9 =	vadd.s32 $0x1770, v9;
	v16 =	vadd.s32 $0x7D0, v21;
	v21 =	vadd.s32 $0xFA0, v21;
	v3 =	vld.idx.msk [tilespmem:v24+s10+$0x0], $0xffff  }
.LBB2_5:
0x3c: {  	s31 =	sadd.s32 $0x3, s31;
	v23 =	vld.idx.msk [tilespmem:v23+s10+$0x0], $0xffff;
	[tilespmem:s28+$0xEA40] =	vst v18;
	s29 =	sadd.s32 $0x180, s29;
	s30 =	sadd.s32 $0x3, s30;
	v24 =	vmov v13  }
0x3d: {  	s8 =	smov.u32 s24;
	s6 =	sand.u32 $0x7, s30;
	p1 =	slt.u32 s31, $0x3C;
	v13 =	vld.idx.msk [tilespmem:v15+s10+$0x0], $0xffff;
	[tilespmem:s28+$0xE840] =	vst v19  }
0x3e: {  	s13 =	sshll.u32 s6, $0x4;
	v18 =	vld [tilespmem:s0+$0xFFFFFFF0];
	[tilespmem:s28+$0xE8C0] =	vst v20;
	s6 =	smov.u32 s26;
	s26 =	smov.u32 s4  }
0x3f: {  	s24 =	sadd.s32 s13, s29;
	v19 =	vld [tilespmem:s0+$0x0];
	[tilespmem:s28+$0xE940] =	vst v22  }
0x40: {  	v20 =	vld [tilespmem:s0+$0x10];
	[tilespmem:s28+$0xE740] =	vst v8  }
0x41: {  	v8 =	vld.idx.msk [tilespmem:v21+s10+$0x0], $0xffff;
	[tilespmem:s28+$0xE7C0] =	vst v11  }
0x42: {  	s14 =	sadd.s32 $0xFFFFFFF0, s25;
	s13 =	sadd.s32 $0x80, s6;
	v21 =	vld.idx.msk [tilespmem:v10+s10+$0x0], $0xffff  }
0x43: {  	s14 =	sand.u32 $0x70, s14;
	s15 =	sand.u32 $0x3C00, s13;
	v10 =	vld.idx.msk [tilespmem:v16+s10+$0x0], $0xffff  }
0x44: {  	s14 =	sor.u32 s14, s15;
	v11 =	vld.idx.msk [tilespmem:v14+s10+$0x0], $0xffff  }
0x45: {  	v14 =	vld.idx.msk [tilespmem:v6+s10+$0x0], $0xffff;
	[tilespmem:s14+$0xEA40] =	vst v23  }
0x46: {  	v16 =	vadd.s32 $0x1B58, v20;
	v12 =	vld.idx.msk [tilespmem:v12+s10+$0x0], $0xffff;
	[tilespmem:s14+$0xE9C0] =	vst v17  }
0x47: {  	v17 =	vld.idx.msk [tilespmem:v7+s10+$0x0], $0xffff;
	[tilespmem:s14+$0xE940] =	vst v8  }
0x48: {  	s15 =	sadd.s32 $0xFFFFFFE0, s25;
	s25 =	smov.u32 s5;
	v22 =	vld.idx.msk [tilespmem:v9+s10+$0x0], $0xffff;
	[tilespmem:s14+$0xE7C0] =	vst v13  }
0x49: {  	s3 =	sand.u32 $0x1C00, s6;
	s9 =	sand.u32 $0x70, s15;
	v25 =	vadd.s32 $0x7D0, v20;
	v26 =	vadd.s32 $0xBB8, v20;
	v13 =	vadd.s32 $0x3E8, v20;
	v27 =	vld.idx.msk [tilespmem:v5+s10+$0x0], $0xffff;
	[tilespmem:s14+$0xE840] =	vst v10  }
0x4a: {  	s3 =	sor.u32 s9, s3;
	v15 =	vadd.s32 $0x3E8, v19;
	v28 =	vadd.s32 $0x1388, v19;
	v29 =	vadd.s32 $0x1770, v20;
	v30 =	vld.idx.msk [tilespmem:v4+s10+$0x0], $0xffff;
	[tilespmem:s14+$0xE740] =	vst v2  }
0x4b: {  	v6 =	vadd.s32 $0x7D0, v18;
	v31 =	vadd.s32 $0x1388, v20;
	v10 =	vadd.s32 $0x3E8, v18;
	v32 =	vld.idx.msk [tilespmem:v16+s10+$0x0], $0xffff;
	[tilespmem:s3+$0xE840] =	vst v14  }
0x4c: {  	v33 =	vadd.s32 $0xFA0, v20;
	v7 =	vadd.s32 $0xFA0, v18;
	v5 =	vadd.s32 $0xBB8, v18;
	v8 =	vld.idx.msk [tilespmem:v20+s10+$0x0], $0xffff;
	[tilespmem:s3+$0xE9C0] =	vst v12  }
0x4d: {  	v34 =	vadd.s32 $0x1B58, v19;
	v4 =	vadd.s32 $0x1B58, v18;
	v14 =	vadd.s32 $0xBB8, v19;
	v2 =	vld.idx.msk [tilespmem:v19+s10+$0x0], $0xffff;
	[tilespmem:s3+$0xE940] =	vst v17  }
0x4e: {  	v9 =	vadd.s32 $0x1770, v18;
	v12 =	vadd.s32 $0x1388, v18;
	v17 =	vld.idx.msk [tilespmem:v18+s10+$0x0], $0xffff;
	[tilespmem:s14+$0xE8C0] =	vst v11  }
0x4f: {  	v23 =	vadd.s32 $0x1770, v19;
	v16 =	vadd.s32 $0x7D0, v19;
	v11 =	vld.idx.msk [tilespmem:v13+s10+$0x0], $0xffff;
	[tilespmem:s3+$0xE8C0] =	vst v27  }
0x50: {  	s9 =	sand.u32 $0x7, s23;
	v18 =	vld.idx.msk [tilespmem:v29+s10+$0x0], $0xffff;
	[tilespmem:s3+$0xE7C0] =	vst v21  }
0x51: {  	s9 =	sshll.u32 s9, $0x4;
	v13 =	vld.idx.msk [tilespmem:v31+s10+$0x0], $0xffff;
	[tilespmem:s3+$0xEA40] =	vst v22  }
.Ltmp5:
0x52: {  	v21 =	vadd.s32 $0xFA0, v19;
	v19 =	vld.idx.msk [tilespmem:v25+s10+$0x0], $0xffff;
	[tilespmem:s3+$0xE740] =	vst v1;
	s3 =	sadd.s32 s9, s13;
	(pc) =	sbr.rel @p1 .LBB2_5-.Ltmp5, $4  }
0x53: {  	s6 =	sor.u32 s6, s15;
	s23 =	sadd.s32 $0x3, s23;
	v20 =	vld.idx.msk [tilespmem:v26+s10+$0x0], $0xffff;
	s3 =	sor.u32 $0x380, s3;
	[tilespmem:s28+$0xE9C0] =	vst v24  }
0x54: {  	s6 =	sor.u32 $0x380, s6;
	s9 =	sadd.s32 $0x100, s4;
	v1 =	vmov v17;
	v22 =	vld.idx.msk [tilespmem:v33+s10+$0x0], $0xffff;
	[tilespmem:s3+$0xE740] =	vst v3;
	s3 =	sor.u32 $0x380, s8  }
0x55: {  	s0 =	sadd.s32 $0x30, s0;
	s9 =	sand.u32 $0x3C00, s9;
	s8 =	sand.u32 $0x70, s5;
	v17 =	vld.idx.msk [tilespmem:v28+s10+$0x0], $0xffff;
	[tilespmem:s6+$0xE740] =	vst v30  }
0x56: {  	s4 =	sadd.s32 $0x180, s4;
	s5 =	sadd.s32 $0x30, s5;
	s28 =	sor.u32 s8, s9;
	v3 =	vld.idx.msk [tilespmem:v34+s10+$0x0], $0xffff;
	[tilespmem:s3+$0xE740] =	vst v0;
	v0 =	vmov v32  }
0x57: {  	_ =	sdelay $0x3  }
0x58: {  	v23 =	vld.idx.msk [tilespmem:v23+s10+$0x0], $0xffff  }
0x59: {  	v15 =	vld.idx.msk [tilespmem:v15+s10+$0x0], $0xffff  }
0x5a: {  	[tilespmem:s28+$0xEA40] =	vst v18;
	v18 =	vld.idx.msk [tilespmem:v21+s10+$0x0], $0xffff  }
0x5b: {  	[tilespmem:s28+$0xE840] =	vst v19;
	v10 =	vld.idx.msk [tilespmem:v10+s10+$0x0], $0xffff  }
0x5c: {  	[tilespmem:s28+$0xE740] =	vst v8;
	v8 =	vld.idx.msk [tilespmem:v16+s10+$0x0], $0xffff  }
0x5d: {  	[tilespmem:s28+$0xE7C0] =	vst v11;
	v11 =	vld.idx.msk [tilespmem:v14+s10+$0x0], $0xffff  }
0x5e: {  	s0 =	sadd.s32 $0xFFFFFFF0, s25;
	s3 =	sadd.s32 $0x80, s26;
	v6 =	vld.idx.msk [tilespmem:v6+s10+$0x0], $0xffff;
	[tilespmem:s28+$0xE9C0] =	vst v13  }
0x5f: {  	v12 =	vld.idx.msk [tilespmem:v12+s10+$0x0], $0xffff;
	[tilespmem:s28+$0xE8C0] =	vst v20;
	s0 =	sand.u32 $0x70, s0;
	s4 =	sand.u32 $0x3C00, s3  }
0x60: {  	v7 =	vld.idx.msk [tilespmem:v7+s10+$0x0], $0xffff;
	s15 =	sadd.s32 $0xFFFFFFE0, s25;
	[tilespmem:s28+$0xE940] =	vst v22;
	s0 =	sor.u32 s0, s4  }
0x61: {  	v9 =	vld.idx.msk [tilespmem:v9+s10+$0x0], $0xffff;
	s6 =	sand.u32 $0x1C00, s26;
	s5 =	sand.u32 $0x70, s15;
	[tilespmem:s0+$0xE9C0] =	vst v17  }
0x62: {  	v5 =	vld.idx.msk [tilespmem:v5+s10+$0x0], $0xffff;
	s5 =	sor.u32 s5, s6;
	[tilespmem:s0+$0xE740] =	vst v2  }
0x63: {  	v4 =	vld.idx.msk [tilespmem:v4+s10+$0x0], $0xffff;
	s4 =	sor.u32 $0x380, s24;
	[tilespmem:s5+$0xE740] =	vst v1  }
0x64: {  	[tilespmem:s4+$0xE740] =	vst v0  }
0x65: {  	[tilespmem:s0+$0xEA40] =	vst v23  }
0x66: {  	[tilespmem:s0+$0xE940] =	vst v18  }
0x67: {  	[tilespmem:s0+$0xE7C0] =	vst v15  }
0x68: {  	[tilespmem:s0+$0xE840] =	vst v8  }
0x69: {  	[tilespmem:s5+$0xE840] =	vst v6  }
0x6a: {  	[tilespmem:s5+$0xE9C0] =	vst v12  }
0x6b: {  	[tilespmem:s5+$0xE940] =	vst v7  }
0x6c: {  	[tilespmem:s0+$0xE8C0] =	vst v11  }
0x6d: {  	s25 =	sand.u32 $0x7, s23;
	[tilespmem:s5+$0xE8C0] =	vst v5  }
0x6e: {  	s26 =	sor.u32 s26, s15;
	[tilespmem:s5+$0xE7C0] =	vst v10;
	s0 =	sshll.u32 s25, $0x4  }
0x6f: {  	[tilespmem:s5+$0xEA40] =	vst v9;
	s0 =	sadd.s32 s0, s3;
	s3 =	sor.u32 $0x380, s26  }
0x70: {  	s0 =	sor.u32 $0x380, s0;
	[tilespmem:s3+$0xE740] =	vst v4  }
0x71: {  	[tilespmem:s0+$0xE740] =	vst v3  }
0x72: {  	v0 =	vld [tilespmem:s22+$0x3F0];
	_ =	sdelay $0x4  }
0x73: {  	v1 =	vadd.s32 $0x3E8, v0  }
0x74: {  	v2 =	vadd.s32 $0x7D0, v0  }
0x75: {  	v3 =	vadd.s32 $0xBB8, v0  }
0x76: {  	v4 =	vadd.s32 $0xFA0, v0  }
0x77: {  	v6 =	vadd.s32 $0x1388, v0;
	v5 =	vld.idx.msk [tilespmem:v0+s10+$0x0], $0xffff  }
0x78: {  	v7 =	vadd.s32 $0x1770, v0;
	v1 =	vld.idx.msk [tilespmem:v1+s10+$0x0], $0xffff  }
0x79: {  	v0 =	vadd.s32 $0x1B58, v0;
	v2 =	vld.idx.msk [tilespmem:v2+s10+$0x0], $0xffff  }
0x7a: {  	v3 =	vld.idx.msk [tilespmem:v3+s10+$0x0], $0xffff  }
0x7b: {  	v4 =	vld.idx.msk [tilespmem:v4+s10+$0x0], $0xffff  }
0x7c: {  	v6 =	vld.idx.msk [tilespmem:v6+s10+$0x0], $0xffff  }
0x7d: {  	v7 =	vld.idx.msk [tilespmem:v7+s10+$0x0], $0xffff  }
0x7e: {  	v0 =	vld.idx.msk [tilespmem:v0+s10+$0x0], $0xffff;
	[tilespmem:$0x103B0] =	vst v5  }
0x7f: {  	[tilespmem:$0x10430] =	vst v1  }
0x80: {  	[tilespmem:$0x104B0] =	vst v2  }
0x81: {  	s5 =	smul.u32 $0x1F4000, s17;
	[tilespmem:$0x10530] =	vst v3  }
0x82: {  	[tilespmem:$0x105B0] =	vst v4  }
0x83: {  	s0 =	sadd.s32 s18, s5;
	[tilespmem:$0x10630] =	vst v6  }
0x84: {  	s0 =	sshrl.u32 s0, $0x3;
	[tilespmem:$0x106B0] =	vst v7  }
0x85: {  	s0 =	sadd.s32 s1, s0;
	[tilespmem:$0x10730] =	vst v0  }
0x86: {  	[hbm4b:s0+s2] =	stream.linear.scatter [tilespmem:s11], [sflag:$0x1], $0x2000, $0x38;
	[tilespmem:$0x12740] =	vst v63  }
0x87: {  	s0 =	simm.s32 @!p0 $0x2  }
0x88: {  	_ =	swait.ge @!p0 [sflag:s0], $0x2000  }
0x89: {  	[sflag:s0] =	ssyncset.done @!p0 $0x0  }
0x8a: {  	[sflag:s0] =	ssyncadd.s32 @!p0 $0xFFFFE000  }
0x8b: {  	v1 =	vld [tilespmem:s20+$0x0]  }
0x8c: {  	v2 =	vld [tilespmem:s20+$0xFFFFFFF0]  }
0x8d: {  	v4 =	vld [tilespmem:s20+$0xFFFFFFE0];
	_ =	sdelay $0x1  }
0x8e: {  	s5 =	sadd.s32 $0x30, s20  }
0x8f: {  	v26 =	vld [tilespmem:s5+$0xFFFFFFE0]  }
0x90: {  	v28 =	vld [tilespmem:s5+$0xFFFFFFF0];
	v0 =	vadd.s32 $0xBB8, v1  }
0x91: {  	v25 =	vld [tilespmem:s5+$0x0];
	v3 =	vadd.s32 $0x3E8, v1  }
0x92: {  	v7 =	vadd.s32 $0x1388, v2;
	v6 =	vld.idx.msk [tilespmem:v1+s10+$0x0], $0xffff  }
0x93: {  	v5 =	vadd.s32 $0x7D0, v1;
	v10 =	vld.idx.msk [tilespmem:v2+s10+$0x0], $0xffff  }
0x94: {  	v8 =	vadd.s32 $0x1388, v1;
	v11 =	vld.idx.msk [tilespmem:v4+s10+$0x0], $0xffff  }
0x95: {  	v9 =	vadd.s32 $0x1B58, v1;
	v12 =	vld.idx.msk [tilespmem:v0+s10+$0x0], $0xffff  }
0x96: {  	v14 =	vadd.s32 $0xBB8, v2;
	v13 =	vld.idx.msk [tilespmem:v3+s10+$0x0], $0xffff  }
0x97: {  	v15 =	vld.idx.msk [tilespmem:v7+s10+$0x0], $0xffff;
	v7 =	vadd.s32 $0x1770, v2  }
0x98: {  	v16 =	vadd.s32 $0x1770, v1;
	v5 =	vld.idx.msk [tilespmem:v5+s10+$0x0], $0xffff  }
0x99: {  	v20 =	vadd.s32 $0x7D0, v4;
	v8 =	vld.idx.msk [tilespmem:v8+s10+$0x0], $0xffff  }
0x9a: {  	v21 =	vadd.s32 $0xBB8, v4;
	v17 =	vld.idx.msk [tilespmem:v9+s10+$0x0], $0xffff  }
0x9b: {  	v1 =	vadd.s32 $0xFA0, v1;
	v14 =	vld.idx.msk [tilespmem:v14+s10+$0x0], $0xffff  }
0x9c: {  	v3 =	vadd.s32 $0xFA0, v2;
	v18 =	vld.idx.msk [tilespmem:v7+s10+$0x0], $0xffff  }
0x9d: {  	s8 =	simm.s32 $0x100;
	s6 =	simm.s32 $0x20;
	v0 =	vadd.s32 $0x3E8, v2;
	v7 =	vld.idx.msk [tilespmem:v16+s10+$0x0], $0xffff  }
0x9e: {  	s3 =	sand.u32 $0x3C00, s8;
	s0 =	sand.u32 $0x70, s6;
	v9 =	vadd.s32 $0x3E8, v4;
	v29 =	vld.idx.msk [tilespmem:v20+s10+$0x0], $0xffff  }
0x9f: {  	s0 =	sor.u32 s0, s3;
	v30 =	vld.idx.msk [tilespmem:v21+s10+$0x0], $0xffff;
	v16 =	vadd.s32 $0x1770, v4  }
0xa0: {  	s3 =	sadd.s32 $0x10740, s0;
	v19 =	vadd.s32 $0xFA0, v4;
	v1 =	vld.idx.msk [tilespmem:v1+s10+$0x0], $0xffff  }
0xa1: {  	v24 =	vld.idx.msk [tilespmem:v3+s10+$0x0], $0xffff;
	v3 =	vadd.s32 $0x1B58, v4;
	[tilespmem:s3+$0x80] =	vst v13  }
0xa2: {  	v0 =	vld.idx.msk [tilespmem:v0+s10+$0x0], $0xffff;
	v4 =	vadd.s32 $0x1388, v4;
	[tilespmem:s3+$0x300] =	vst v7  }
0xa3: {  	v9 =	vld.idx.msk [tilespmem:v9+s10+$0x0], $0xffff;
	[tilespmem:s0+$0x10740] =	vst v6  }
0xa4: {  	s4 =	simm.s32 $0x0;
	v7 =	vadd.s32 $0x1B58, v2;
	v13 =	vld.idx.msk [tilespmem:v16+s10+$0x0], $0xffff;
	s0 =	simm.s32 $0x0;
	[tilespmem:s3+$0x100] =	vst v5  }
0xa5: {  	s9 =	sand.u32 $0x70, s4;
	v2 =	vadd.s32 $0x7D0, v2;
	v6 =	vld.idx.msk [tilespmem:v19+s10+$0x0], $0xffff;
	s8 =	sand.u32 $0x1C00, s0;
	[tilespmem:s3+$0x280] =	vst v8  }
0xa6: {  	v3 =	vld.idx.msk [tilespmem:v3+s10+$0x0], $0xffff;
	[tilespmem:s3+$0x200] =	vst v1;
	s8 =	sor.u32 s9, s8  }
0xa7: {  	v4 =	vld.idx.msk [tilespmem:v4+s10+$0x0], $0xffff;
	[tilespmem:s3+$0x180] =	vst v12;
	s6 =	sadd.s32 $0x10740, s8  }
0xa8: {  	s13 =	simm.s32 $0x10;
	v5 =	vadd.s32 $0xBB8, v25;
	v1 =	vld.idx.msk [tilespmem:v28+s10+$0x0], $0xffff;
	s9 =	simm.s32 $0x80;
	[tilespmem:s6+$0x80] =	vst v9  }
0xa9: {  	v12 =	vadd.s32 $0x3E8, v25;
	s3 =	sand.u32 $0x70, s13;
	s9 =	sand.u32 $0x3C00, s9;
	v9 =	vld.idx.msk [tilespmem:v7+s10+$0x0], $0xffff;
	[tilespmem:s6+$0x300] =	vst v13  }
0xaa: {  	v16 =	vadd.s32 $0x7D0, v25;
	v13 =	vld.idx.msk [tilespmem:v2+s10+$0x0], $0xffff;
	s3 =	sor.u32 s3, s9;
	[tilespmem:s6+$0x200] =	vst v6  }
0xab: {  	s14 =	simm.s32 $0x2;
	v27 =	vadd.s32 $0x1B58, v25;
	v7 =	vld.idx.msk [tilespmem:v25+s10+$0x0], $0xffff;
	[tilespmem:s8+$0x10740] =	vst v11;
	s8 =	sadd.s32 $0x10740, s3  }
0xac: {  	s21 =	sor.u32 $0x1, s21;
	v31 =	vadd.s32 $0x3E8, v28;
	s9 =	sand.u32 $0x7, s14;
	v2 =	vld.idx.msk [tilespmem:v26+s10+$0x0], $0xffff;
	[tilespmem:s8+$0x300] =	vst v18  }
0xad: {  	s23 =	simm.s32 $0x4;
	s29 =	simm.s32 $0x3;
	v32 =	vadd.s32 $0xFA0, v28;
	v6 =	vadd.s32 $0x1388, v28;
	s9 =	sshll.u32 s9, $0x4;
	v8 =	vld.idx.msk [tilespmem:v5+s10+$0x0], $0xffff;
	[tilespmem:s8+$0x180] =	vst v14  }
0xae: {  	s30 =	simm.s32 $0x280;
	s31 =	simm.s32 $0x7;
	v23 =	vadd.s32 $0x1B58, v26;
	v20 =	vadd.s32 $0x1770, v26;
	v11 =	vadd.s32 $0x1388, v25;
	s9 =	sadd.s32 $0x100, s9;
	v19 =	vld.idx.msk [tilespmem:v12+s10+$0x0], $0xffff;
	[tilespmem:s8+$0x280] =	vst v15  }
0xaf: {  	s24 =	simm.s32 $0x180;
	s28 =	simm.s32 $0x5;
	v12 =	vadd.s32 $0x7D0, v26;
	v18 =	vld.idx.msk [tilespmem:v16+s10+$0x0], $0xffff;
	v15 =	vadd.s32 $0x3E8, v26;
	s15 =	sor.u32 $0x380, s9;
	v16 =	vadd.s32 $0xFA0, v26;
	[tilespmem:s3+$0x10740] =	vst v10  }
0xb0: {  	s26 =	simm.s32 $0x50;
	s5 =	sadd.s32 $0x30, s5;
	s13 =	sshll.u32 s21, $0xA;
	v5 =	vld.idx.msk [tilespmem:v27+s10+$0x0], $0xffff;
	v10 =	vadd.s32 $0xBB8, v26;
	[tilespmem:s15+$0x10740] =	vst v17;
	v17 =	vadd.s32 $0x1388, v26;
	v26 =	vadd.s32 $0xBB8, v28  }
0xb1: {  	s22 =	sand.u32 $0x3FFFFC00, s13;
	s13 =	simm.s32 $0x1;
	s14 =	sand.u32 $0x7, s28;
	v27 =	vadd.s32 $0x1770, v28;
	[tilespmem:s8+$0x200] =	vst v24;
	v24 =	vld.idx.msk [tilespmem:v31+s10+$0x0], $0xffff  }
0xb2: {  	v22 =	vadd.s32 $0xFA0, v25;
	s0 =	sor.u32 s0, s4;
	s13 =	sand.u32 $0x7, s13;
	s25 =	sshll.u32 s14, $0x4;
	v25 =	vadd.s32 $0x1770, v25;
	[tilespmem:s6+$0x280] =	vst v4;
	v4 =	vld.idx.msk [tilespmem:v6+s10+$0x0], $0xffff  }
0xb3: {  	s4 =	simm.s32 $0x80;
	s14 =	sshll.u32 s13, $0x4;
	s25 =	sadd.s32 $0x280, s25;
	[tilespmem:s6+$0x100] =	vst v29;
	v6 =	vld.idx.msk [tilespmem:v32+s10+$0x0], $0xffff  }
0xb4: {  	s13 =	sadd.s32 $0x80, s14;
	v14 =	vadd.s32 $0x1B58, v28;
	[tilespmem:s6+$0x180] =	vst v30;
	s15 =	sor.u32 $0x380, s0;
	s0 =	simm.s32 $0x300;
	v21 =	vld.idx.msk [tilespmem:v11+s10+$0x0], $0xffff;
	v11 =	vadd.s32 $0x7D0, v28  }
.LBB2_7:
0xb5: {  	s29 =	sadd.s32 $0x3, s29;
	v26 =	vld.idx.msk [tilespmem:v26+s10+$0x0], $0xffff;
	s30 =	sadd.s32 $0x180, s30;
	s28 =	sadd.s32 $0x3, s28;
	[tilespmem:s8+$0x80] =	vst v0  }
0xb6: {  	s9 =	sor.u32 $0x380, s13;
	s3 =	sand.u32 $0x7, s28;
	p0 =	slt.u32 s29, $0x3C;
	v28 =	vld.idx.msk [tilespmem:v27+s10+$0x0], $0xffff;
	[tilespmem:s15+$0x10740] =	vst v3  }
0xb7: {  	s3 =	sshll.u32 s3, $0x4;
	v25 =	vld.idx.msk [tilespmem:v25+s10+$0x0], $0xffff;
	[tilespmem:s8+$0x100] =	vst v13  }
0xb8: {  	s6 =	sadd.s32 s3, s30;
	v27 =	vld [tilespmem:s5+$0xFFFFFFE0];
	s3 =	sadd.s32 $0x100, s24;
	[tilespmem:s9+$0x10740] =	vst v9  }
0xb9: {  	s8 =	sand.u32 $0x70, s26;
	v0 =	vmov v24;
	v29 =	vld [tilespmem:s5+$0xFFFFFFF0];
	s3 =	sand.u32 $0x3C00, s3  }
0xba: {  	v24 =	vld [tilespmem:s5+$0x0];
	s3 =	sor.u32 s8, s3  }
0xbb: {  	v9 =	vld.idx.msk [tilespmem:v22+s10+$0x0], $0xffff;
	s8 =	sadd.s32 $0x10740, s3  }
0xbc: {  	v3 =	vld.idx.msk [tilespmem:v23+s10+$0x0], $0xffff;
	[tilespmem:s8+$0x80] =	vst v19  }
0xbd: {  	v13 =	vld.idx.msk [tilespmem:v15+s10+$0x0], $0xffff;
	[tilespmem:s8+$0x300] =	vst v25  }
0xbe: {  	v19 =	vld.idx.msk [tilespmem:v20+s10+$0x0], $0xffff;
	[tilespmem:s3+$0x10740] =	vst v7  }
0xbf: {  	s3 =	sadd.s32 $0xFFFFFFE0, s26;
	v20 =	vld.idx.msk [tilespmem:v16+s10+$0x0], $0xffff;
	[tilespmem:s8+$0x100] =	vst v18  }
0xc0: {  	s13 =	sand.u32 $0x1C00, s24;
	s9 =	sand.u32 $0x70, s3;
	s3 =	sor.u32 s24, s3;
	v30 =	vld.idx.msk [tilespmem:v12+s10+$0x0], $0xffff;
	[tilespmem:s8+$0x280] =	vst v21  }
0xc1: {  	s9 =	sor.u32 s9, s13;
	s15 =	sor.u32 $0x380, s3;
	v31 =	vld.idx.msk [tilespmem:v10+s10+$0x0], $0xffff;
	[tilespmem:s8+$0x200] =	vst v9  }
0xc2: {  	v18 =	vadd.s32 $0x3E8, v24;
	v32 =	vadd.s32 $0xBB8, v24;
	v21 =	vadd.s32 $0x7D0, v24;
	s3 =	sand.u32 $0x7, s23;
	s23 =	smov.u32 s31;
	s14 =	sadd.s32 $0x10740, s9;
	v33 =	vld.idx.msk [tilespmem:v17+s10+$0x0], $0xffff;
	[tilespmem:s8+$0x180] =	vst v8  }
0xc3: {  	v34 =	vadd.s32 $0x3E8, v29;
	v35 =	vadd.s32 $0x1388, v29;
	v36 =	vadd.s32 $0x1B58, v24;
	s13 =	sadd.s32 $0x80, s24;
	s3 =	sshll.u32 s3, $0x4;
	s8 =	sadd.s32 $0xFFFFFFF0, s26;
	[tilespmem:s14+$0x80] =	vst v13;
	v9 =	vld.idx.msk [tilespmem:v14+s10+$0x0], $0xffff  }
0xc4: {  	v15 =	vadd.s32 $0x3E8, v27;
	v37 =	vadd.s32 $0x1388, v24;
	v12 =	vadd.s32 $0x7D0, v27;
	s24 =	sand.u32 $0x3C00, s13;
	s13 =	sadd.s32 s3, s13;
	s8 =	sand.u32 $0x70, s8;
	[tilespmem:s14+$0x300] =	vst v19;
	v13 =	vld.idx.msk [tilespmem:v11+s10+$0x0], $0xffff  }
0xc5: {  	v16 =	vadd.s32 $0xFA0, v27;
	v22 =	vadd.s32 $0xFA0, v24;
	v10 =	vadd.s32 $0xBB8, v27;
	s26 =	smov.u32 s4;
	s3 =	sor.u32 s8, s24;
	s24 =	smov.u32 s0;
	v7 =	vld.idx.msk [tilespmem:v24+s10+$0x0], $0xffff;
	[tilespmem:s14+$0x200] =	vst v20  }
0xc6: {  	v23 =	vadd.s32 $0x1B58, v27;
	v25 =	vadd.s32 $0x1770, v24;
	v20 =	vadd.s32 $0x1770, v27;
	s8 =	sadd.s32 $0x10740, s3;
	v38 =	vld.idx.msk [tilespmem:v29+s10+$0x0], $0xffff;
	[tilespmem:s9+$0x10740] =	vst v2  }
0xc7: {  	v17 =	vadd.s32 $0x1388, v27;
	v14 =	vadd.s32 $0x1B58, v29;
	v2 =	vld.idx.msk [tilespmem:v27+s10+$0x0], $0xffff;
	v27 =	vadd.s32 $0x1770, v29;
	[tilespmem:s8+$0x300] =	vst v28  }
0xc8: {  	v11 =	vadd.s32 $0x7D0, v29;
	v8 =	vld.idx.msk [tilespmem:v32+s10+$0x0], $0xffff;
	[tilespmem:s14+$0x280] =	vst v33  }
0xc9: {  	v28 =	vadd.s32 $0xFA0, v29;
	v19 =	vld.idx.msk [tilespmem:v18+s10+$0x0], $0xffff;
	[tilespmem:s8+$0x180] =	vst v26  }
0xca: {  	v26 =	vadd.s32 $0xBB8, v29;
	v18 =	vld.idx.msk [tilespmem:v21+s10+$0x0], $0xffff;
	[tilespmem:s8+$0x280] =	vst v4  }
.Ltmp6:
0xcb: {  	v4 =	vld.idx.msk [tilespmem:v35+s10+$0x0], $0xffff;
	[tilespmem:s3+$0x10740] =	vst v1;
	s3 =	sor.u32 $0x380, s25;
	s25 =	smov.u32 s6;
	(pc) =	sbr.rel @p0 .LBB2_7-.Ltmp6, $4  }
0xcc: {  	v1 =	vmov v38;
	v21 =	vld.idx.msk [tilespmem:v37+s10+$0x0], $0xffff;
	[tilespmem:s3+$0x10740] =	vst v5  }
0xcd: {  	v5 =	vld.idx.msk [tilespmem:v36+s10+$0x0], $0xffff;
	[tilespmem:s8+$0x200] =	vst v6  }
0xce: {  	s31 =	sadd.s32 $0x3, s31;
	v24 =	vld.idx.msk [tilespmem:v34+s10+$0x0], $0xffff;
	[tilespmem:s14+$0x100] =	vst v30  }
0xcf: {  	s5 =	sadd.s32 $0x30, s5;
	s4 =	sadd.s32 $0x30, s4;
	s0 =	sadd.s32 $0x180, s0;
	v6 =	vld.idx.msk [tilespmem:v28+s10+$0x0], $0xffff;
	[tilespmem:s14+$0x180] =	vst v31  }
0xd0: {  	_ =	sdelay $0x3  }
0xd1: {  	v48 =	vld.idx.msk [tilespmem:v25+s10+$0x0], $0xffff  }
0xd2: {  	v50 =	vld.idx.msk [tilespmem:v22+s10+$0x0], $0xffff  }
0xd3: {  	[tilespmem:s8+$0x80] =	vst v0;
	s0 =	sadd.s32 $0x100, s24;
	v51 =	vld.idx.msk [tilespmem:v23+s10+$0x0], $0xffff  }
0xd4: {  	[tilespmem:s15+$0x10740] =	vst v3;
	s3 =	sand.u32 $0x70, s26;
	v15 =	vld.idx.msk [tilespmem:v15+s10+$0x0], $0xffff;
	s0 =	sand.u32 $0x3C00, s0  }
0xd5: {  	s4 =	sor.u32 $0x380, s13;
	[tilespmem:s8+$0x100] =	vst v13;
	v52 =	vld.idx.msk [tilespmem:v20+s10+$0x0], $0xffff;
	s9 =	sadd.s32 $0xFFFFFFE0, s26;
	s0 =	sor.u32 s3, s0  }
0xd6: {  	v53 =	vld.idx.msk [tilespmem:v16+s10+$0x0], $0xffff;
	s5 =	sand.u32 $0x1C00, s24;
	[tilespmem:s4+$0x10740] =	vst v9;
	s13 =	sand.u32 $0x70, s9;
	s3 =	sadd.s32 $0x10740, s0  }
0xd7: {  	v12 =	vld.idx.msk [tilespmem:v12+s10+$0x0], $0xffff;
	s4 =	sor.u32 s13, s5;
	[tilespmem:s3+$0x80] =	vst v19  }
0xd8: {  	v10 =	vld.idx.msk [tilespmem:v10+s10+$0x0], $0xffff;
	s5 =	sadd.s32 $0x10740, s4;
	[tilespmem:s3+$0x300] =	vst v48  }
0xd9: {  	v54 =	vld.idx.msk [tilespmem:v17+s10+$0x0], $0xffff;
	[tilespmem:s5+$0x80] =	vst v15  }
0xda: {  	[tilespmem:s5+$0x300] =	vst v52  }
0xdb: {  	[tilespmem:s5+$0x200] =	vst v53  }
0xdc: {  	[tilespmem:s0+$0x10740] =	vst v7  }
0xdd: {  	[tilespmem:s4+$0x10740] =	vst v2  }
0xde: {  	[tilespmem:s3+$0x100] =	vst v18  }
0xdf: {  	[tilespmem:s3+$0x280] =	vst v21  }
0xe0: {  	[tilespmem:s3+$0x200] =	vst v50  }
0xe1: {  	[tilespmem:s3+$0x180] =	vst v8  }
0xe2: {  	v49 =	vld.idx.msk [tilespmem:v27+s10+$0x0], $0xffff;
	[tilespmem:s5+$0x280] =	vst v54  }
0xe3: {  	s14 =	sadd.s32 $0xFFFFFFF0, s26;
	s6 =	sadd.s32 $0x80, s24;
	v55 =	vld.idx.msk [tilespmem:v26+s10+$0x0], $0xffff;
	s28 =	sor.u32 $0x380, s25;
	[tilespmem:s5+$0x100] =	vst v12  }
0xe4: {  	s15 =	sand.u32 $0x3C00, s6;
	s0 =	sor.u32 s24, s9;
	s3 =	sand.u32 $0x70, s14;
	[tilespmem:s5+$0x180] =	vst v10  }
0xe5: {  	s0 =	sor.u32 $0x380, s0;
	s3 =	sor.u32 s3, s15;
	[tilespmem:s28+$0x10740] =	vst v5  }
0xe6: {  	v56 =	vld.idx.msk [tilespmem:v14+s10+$0x0], $0xffff;
	[tilespmem:s0+$0x10740] =	vst v51;
	s26 =	sadd.s32 $0x10740, s3  }
0xe7: {  	v57 =	vld.idx.msk [tilespmem:v11+s10+$0x0], $0xffff;
	[tilespmem:s26+$0x300] =	vst v49  }
0xe8: {  	[tilespmem:s26+$0x180] =	vst v55  }
0xe9: {  	[tilespmem:s26+$0x280] =	vst v4  }
0xea: {  	s29 =	sand.u32 $0x7, s23;
	[tilespmem:s3+$0x10740] =	vst v1  }
0xeb: {  	s3 =	sshll.u32 s29, $0x4;
	[tilespmem:s26+$0x200] =	vst v6  }
0xec: {  	[tilespmem:s26+$0x80] =	vst v24;
	s3 =	sadd.s32 s3, s6  }
0xed: {  	[tilespmem:s26+$0x100] =	vst v57;
	s30 =	sor.u32 $0x380, s3  }
0xee: {  	[tilespmem:s30+$0x10740] =	vst v56  }
0xef: {  	v0 =	vld [tilespmem:s22+$0x3F0];
	_ =	sdelay $0x4  }
0xf0: {  	v58 =	vadd.s32 $0x3E8, v0  }
0xf1: {  	v59 =	vadd.s32 $0x7D0, v0  }
0xf2: {  	v60 =	vadd.s32 $0xBB8, v0  }
0xf3: {  	v61 =	vadd.s32 $0xFA0, v0  }
0xf4: {  	v62 =	vadd.s32 $0x1388, v0;
	v5 =	vld.idx.msk [tilespmem:v0+s10+$0x0], $0xffff  }
0xf5: {  	v63 =	vadd.s32 $0x1770, v0;
	v1 =	vld.idx.msk [tilespmem:v58+s10+$0x0], $0xffff  }
0xf6: {  	v0 =	vadd.s32 $0x1B58, v0;
	v2 =	vld.idx.msk [tilespmem:v59+s10+$0x0], $0xffff  }
0xf7: {  	v3 =	vld.idx.msk [tilespmem:v60+s10+$0x0], $0xffff  }
0xf8: {  	v4 =	vld.idx.msk [tilespmem:v61+s10+$0x0], $0xffff  }
0xf9: {  	v6 =	vld.idx.msk [tilespmem:v62+s10+$0x0], $0xffff  }
0xfa: {  	v7 =	vld.idx.msk [tilespmem:v63+s10+$0x0], $0xffff  }
0xfb: {  	v0 =	vld.idx.msk [tilespmem:v0+s10+$0x0], $0xffff;
	[tilespmem:$0x123B0] =	vst v5  }
0xfc: {  	[tilespmem:$0x12430] =	vst v1  }
0xfd: {  	s17 =	sadd.s32 $0x1, s17;
	[tilespmem:$0x124B0] =	vst v2  }
0xfe: {  	s31 =	smul.u32 $0xFA000, s21;
	p0 =	sne.s32 s17, $0x19;
	[tilespmem:$0x12530] =	vst v3  }
.Ltmp7:
0xff: {  	[tilespmem:$0x125B0] =	vst v4;
	(pc) =	sbr.rel @p0 .LBB2_4-.Ltmp7, $4  }
0x100: {  	s0 =	sadd.s32 s18, s31;
	[tilespmem:$0x12630] =	vst v6  }
0x101: {  	s0 =	sshrl.u32 s0, $0x3;
	[tilespmem:$0x126B0] =	vst v7  }
0x102: {  	s19 =	sadd.s32 $0x800, s19;
	s20 =	sadd.s32 $0x800, s20;
	s0 =	sadd.s32 s1, s0;
	[tilespmem:$0x12730] =	vst v0  }
0x103: {  	[hbm4b:s0+s2] =	stream.linear.scatter [tilespmem:s12], [sflag:$0x2], $0x2000, $0x38;
	[tilespmem:$0x12740] =	vst v63  }
0x104: {  	s0 =	simm.s32 $0x1  }
0x105: {  	_ =	swait.ge [sflag:s0], $0x2000  }
.Ltmp8:
0x106: {  	[sflag:s0] =	ssyncset.done $0x0;
	(pc) =	sbr.rel .LBB2_10-.Ltmp8, $4  }
0x107: {  	s31 =	simm.s32 $0x2;
	[sflag:s0] =	ssyncadd.s32 $0xFFFFE000  }
0x108: {  	_ =	swait.ge [sflag:s31], $0x2000  }
0x109: {  	[sflag:s31] =	ssyncset.done $0x0  }
0x10a: {  	s3 =	rddreg [dreg:$0x5];
	[sflag:s31] =	ssyncadd.s32 $0xFFFFE000  }
.LBB2_12:
0x10b: {  	_ =	sfence.sel $0x180000  }
0x10c: {  	[bflag:$0x0] =	sbarrier.arrive $0xFFFF  }
0x10d: {  	_ =	strace $0x90000047  }
0x10e: {  	s0 =	stileid.u32;
	[bflag:$0x2] =	sbarrier.arrive $0xFFFF  }
0x10f: {  	p0 =	sne.s32 s0, $0x0;
	s0 =	rddreg [dreg:$0x2]  }
0x110: {  	s0 =	sadd.s32 @!p0 $0x100000, s0  }
0x111: {  	[sflag:s0] =	ssyncadd.tile.s32 @!p0 $0x1;
	_ =	shalt  }
.Lfunc_end2:
_tile_overlayer_lowered:
.L_overlay_start_2:
0x112: {  	(tag) =	ssettag $0x2  }
0x113: {  	s0 =	rddreg [dreg:$0x0];
	s2 =	stileid.u32  }
0x114: {  	s1 =	rddreg [dreg:$0x1];
	p0 =	sne.s32 s2, $0x0  }
0x115: {  	s3 =	rddreg [dreg:$0x2];
	[bflag:$0x3] =	sbarrier.arrive $0xFFFF;
	s2 =	simm.s32 @!p0 $0x1C03  }
0x116: {  	[timem:s3], [sflag:s2] =	dma.local @!p0 [hbm:s0], s1  }
0x117: {  	s0 =	simm.s32 @!p0 $0x3  }
0x118: {  	_ =	swait.ge @!p0 [sflag:s0], s1  }
0x119: {  	s1 =	ssub.s32 @!p0 $0x0, s1;
	[sflag:s0] =	ssyncset.done @!p0 $0x0  }
0x11a: {  	[sflag:s0] =	ssyncadd.s32 @!p0 s1  }
0x11b: {  	[bflag:$0x3] =	sbarrier.arrive $0xFFFF  }
0x11c: {  	_ =	shalt  }

</sc_bundles>
